<compile_context>
chip_gen: v7x
topology: tpu7x:2x2x1
jax: 0.10.2.dev20260603
libtpu: 0.0.44.dev20260713+nightly
codegen_flags: <defaults>
</compile_context>

<pallas_src>
import functools

import jax
import jax.numpy as jnp
from jax import lax
from jax.experimental import pallas as pl
from jax.experimental.pallas import tpu as pltpu
from jax.experimental.pallas import tpu_sc as plsc

DIM = 129
TABLE_SIZE = DIM * DIM * DIM
N_REFL = 4194304

NUM_CORES = 2
NUM_SUBCORES = 16
NUM_WORKERS = NUM_CORES * NUM_SUBCORES

PHASE_SIZES = (1572864, 2621440)
assert sum(PHASE_SIZES) == N_REFL

CHUNK = 2048
NBUF = 4


def _make_sc_gather(phase_base, phase_size):
    mesh = plsc.VectorSubcoreMesh(core_axis_name="c", subcore_axis_name="s")
    PER_WORKER = phase_size // NUM_WORKERS
    NCHUNKS = PER_WORKER // CHUNK
    ROUNDS = NCHUNKS // NBUF
    assert ROUNDS * NBUF * CHUNK * NUM_WORKERS == phase_size

    @functools.partial(
        pl.kernel,
        mesh=mesh,
        out_type=(),
        compiler_params=pltpu.CompilerParams(needs_layout_passes=False),
        scratch_types=(
            [pltpu.VMEM((CHUNK,), jnp.int32) for _ in range(NBUF)]
            + [pltpu.VMEM((CHUNK,), jnp.int32) for _ in range(NBUF)]
            + [pltpu.SemaphoreType.DMA for _ in range(3 * NBUF)]
        ),
    )
    def sc_gather(flat_hbm, table_hbm, out_ref, *scratch):
        out_hbm = out_ref
        idx_bufs = scratch[0:NBUF]
        val_bufs = scratch[NBUF : 2 * NBUF]
        in_sems = scratch[2 * NBUF : 3 * NBUF]
        g_sems = scratch[3 * NBUF : 4 * NBUF]
        o_sems = scratch[4 * NBUF : 5 * NBUF]

        wid = lax.axis_index("s") * NUM_CORES + lax.axis_index("c")
        base = wid * PER_WORKER
        obase = phase_base + wid * PER_WORKER

        def start_in(q, b):
            pltpu.async_copy(
                flat_hbm.at[pl.ds(base + q * CHUNK, CHUNK)], idx_bufs[b], in_sems[b]
            )

        def wait_in(b):
            pltpu.make_async_copy(
                flat_hbm.at[pl.ds(base, CHUNK)], idx_bufs[b], in_sems[b]
            ).wait()

        def fire_gather(b):
            pltpu.async_copy(table_hbm.at[idx_bufs[b]], val_bufs[b], g_sems[b])

        def wait_gather(b):
            pltpu.make_async_copy(
                flat_hbm.at[pl.ds(base, CHUNK)], val_bufs[b], g_sems[b]
            ).wait()

        def start_out(q, b):
            pltpu.async_copy(
                val_bufs[b], out_hbm.at[pl.ds(obase + q * CHUNK, CHUNK)], o_sems[b]
            )

        def wait_out(b):
            pltpu.make_async_copy(
                val_bufs[b], out_hbm.at[pl.ds(obase, CHUNK)], o_sems[b]
            ).wait()

        def step(q, b):
            wait_in(b)

            @pl.when(q >= NBUF)
            def _():
                wait_out(b)

            fire_gather(b)

            @pl.when(q >= 2)
            def _():
                wait_gather((b + 2) % NBUF)

            @pl.when(q >= 2)
            def _():
                start_out(q - 2, (b + 2) % NBUF)

            @pl.when(q + 2 < NCHUNKS)
            def _():
                start_in(q + 2, (b + 2) % NBUF)

        start_in(0, 0)
        start_in(1, 1)

        def body(r, carry):
            for i in range(NBUF):
                step(r * NBUF + i, i)
            return carry

        lax.fori_loop(0, ROUNDS, body, 0, unroll=False)

        for q in (NCHUNKS - 2, NCHUNKS - 1):
            b = q % NBUF
            wait_gather(b)
            start_out(q, b)
        for q in range(NCHUNKS - NBUF, NCHUNKS):
            wait_out(q % NBUF)

    return sc_gather


_PHASE_BASES = tuple(sum(PHASE_SIZES[:p]) for p in range(len(PHASE_SIZES)))
_sc_gather_phases = [
    _make_sc_gather(b, s) for b, s in zip(_PHASE_BASES, PHASE_SIZES)
]


def kernel(hkl, miller_id):
    table = miller_id.reshape(TABLE_SIZE)
    out_ref = jax.new_ref(pl.empty((N_REFL,), jnp.int32))
    for p, (b, s) in enumerate(zip(_PHASE_BASES, PHASE_SIZES)):
        src = (
            hkl
            if p == 0
            else lax.optimization_barrier((hkl, jnp.int32(p)))[0]
        )
        hp = lax.slice(src, (b, 0), (b + s, 3))
        h2 = hp[:, 0].reshape(-1, 128)
        k2 = hp[:, 1].reshape(-1, 128)
        l2 = hp[:, 2].reshape(-1, 128)
        flat = (h2 * (DIM * DIM) + k2 * DIM + l2).reshape(s)
        _sc_gather_phases[p](flat, table, out_ref)
    return out_ref[...]

# --- scband reference (transcript-rebuilt; emitter-appended) ---
"""Pipeline reference for scband-reciprocal-asu-50070728737548 (READ-ONLY COPY).

The authoritative reference and input builder live on the scoring server;
editing this copy changes nothing except your own understanding.
"""

import jax, jax.numpy as jnp
import numpy as np

HMAX = (64, 64, 64)
ASU_SIZE = 250000
N_REFL = 4194304


def setup_inputs(seed: int = 0) -> dict:
    key = jax.random.key(seed)
    k1, k2 = jax.random.split(key)
    h, k, l = HMAX
    dims = (2 * h + 1, 2 * k + 1, 2 * l + 1)
    # miller_id table: entries are ASU indices in [0, asu_size) with -1 for
    # systematically absent / out-of-sphere reflections (as in the torch module).
    miller_id = jax.random.randint(k1, dims, -1, ASU_SIZE, dtype=jnp.int32)
    # hkl indices: the torch module indexes miller_id[h, k, l] directly, where
    # negative Miller indices wrap around via negative indexing. Sampling in
    # [0, 2h+1) covers the full index range (both positive and wrapped negative).
    hkl = jax.random.randint(k2, (N_REFL, 3), 0, 2 * h + 1, dtype=jnp.int32)
    return {"hkl": hkl, "miller_id": miller_id}


def reference(hkl, miller_id):
    # Faithful translation of ReciprocalASU.forward:
    #   h, k, l = hkl[..., 0], hkl[..., 1], hkl[..., 2]
    #   return self.miller_id[h, k, l]
    h = hkl[..., 0]
    k = hkl[..., 1]
    l = hkl[..., 2]
    return miller_id[h, k, l]

if __name__ == "__main__":
    import jax
    _d = setup_inputs()
    print(jax.jit(kernel)(*tuple(_d.values())))

</pallas_src>

<mosaic_0001>
#map = affine_map<(d0, d1) -> (0)>
module attributes {stable_mosaic.version = 14 : i64} {
  func.func @new_body(%arg0: i32, %arg1: i32, %arg2: memref<1572864xi32, #tpu.memory_space<hbm>>, %arg3: memref<2146689xi32, #tpu.memory_space<hbm>>, %arg4: memref<4194304xi32, #tpu.memory_space<hbm>>, %arg5: memref<4194304xi32, #tpu.memory_space<hbm>>, %arg6: memref<2048xi32, #tpu.memory_space<vmem>>, %arg7: memref<2048xi32, #tpu.memory_space<vmem>>, %arg8: memref<2048xi32, #tpu.memory_space<vmem>>, %arg9: memref<2048xi32, #tpu.memory_space<vmem>>, %arg10: memref<2048xi32, #tpu.memory_space<vmem>>, %arg11: memref<2048xi32, #tpu.memory_space<vmem>>, %arg12: memref<2048xi32, #tpu.memory_space<vmem>>, %arg13: memref<2048xi32, #tpu.memory_space<vmem>>, %arg14: memref<!tpu.dma_semaphore, #tpu.memory_space<semaphore_mem>>, %arg15: memref<!tpu.dma_semaphore, #tpu.memory_space<semaphore_mem>>, %arg16: memref<!tpu.dma_semaphore, #tpu.memory_space<semaphore_mem>>, %arg17: memref<!tpu.dma_semaphore, #tpu.memory_space<semaphore_mem>>, %arg18: memref<!tpu.dma_semaphore, #tpu.memory_space<semaphore_mem>>, %arg19: memref<!tpu.dma_semaphore, #tpu.memory_space<semaphore_mem>>, %arg20: memref<!tpu.dma_semaphore, #tpu.memory_space<semaphore_mem>>, %arg21: memref<!tpu.dma_semaphore, #tpu.memory_space<semaphore_mem>>, %arg22: memref<!tpu.dma_semaphore, #tpu.memory_space<semaphore_mem>>, %arg23: memref<!tpu.dma_semaphore, #tpu.memory_space<semaphore_mem>>, %arg24: memref<!tpu.dma_semaphore, #tpu.memory_space<semaphore_mem>>, %arg25: memref<!tpu.dma_semaphore, #tpu.memory_space<semaphore_mem>>) attributes {dimension_semantics = [#tpu.dimension_semantics<core_parallel>, #tpu.dimension_semantics<subcore_parallel>], iteration_bounds = array<i64: 2, 16>, scalar_prefetch = 0 : i64, scratch_operands = 20 : i64, tpu.core_type = #tpu.core_type<sc_vector_subcore>, window_params = [{transform_indices = #map}, {transform_indices = #map}, {transform_indices = #map}, {transform_indices = #map}]} {
    %mul3A = arith.constant 2 : i32
    %mul3A_0 = arith.muli %arg1, %mul3A : i32
    %add3A = arith.addi %mul3A_0, %arg0 : i32
    %mul3A_1 = arith.constant 49152 : i32
    %mul3A_2 = arith.muli %add3A, %mul3A_1 : i32
    %mul3A_3 = arith.constant 49152 : i32
    %mul3A_4 = arith.muli %add3A, %mul3A_3 : i32
    %add3A_5 = arith.constant 0 : i32
    %add3A_6 = arith.addi %add3A_5, %mul3A_4 : i32
    %add3A_7 = arith.constant 0 : i32
    %add3A_8 = arith.addi %mul3A_2, %add3A_7 : i32
    %dma_start3A = tpu.memref_slice %arg2[%add3A_8] : memref<1572864xi32, #tpu.memory_space<hbm>> -> memref<2048xi32, #tpu.memory_space<hbm>>
    %dma_start3A_9 = tpu.memref_slice %arg2[%add3A_8] : memref<1572864xi32, #tpu.memory_space<hbm>> -> memref<2048xi32, #tpu.memory_space<hbm>>
    tpu.enqueue_dma source(%dma_start3A_9 : memref<2048xi32, #tpu.memory_space<hbm>>) target(%arg6 : memref<2048xi32, #tpu.memory_space<vmem>>) target_semaphore(%arg14 : memref<!tpu.dma_semaphore, #tpu.memory_space<semaphore_mem>>)
    %add3A_10 = arith.constant 2048 : i32
    %add3A_11 = arith.addi %mul3A_2, %add3A_10 : i32
    %dma_start3A_12 = tpu.memref_slice %arg2[%add3A_11] : memref<1572864xi32, #tpu.memory_space<hbm>> -> memref<2048xi32, #tpu.memory_space<hbm>>
    %dma_start3A_13 = tpu.memref_slice %arg2[%add3A_11] : memref<1572864xi32, #tpu.memory_space<hbm>> -> memref<2048xi32, #tpu.memory_space<hbm>>
    tpu.enqueue_dma source(%dma_start3A_13 : memref<2048xi32, #tpu.memory_space<hbm>>) target(%arg7 : memref<2048xi32, #tpu.memory_space<vmem>>) target_semaphore(%arg15 : memref<!tpu.dma_semaphore, #tpu.memory_space<semaphore_mem>>)
    %scan3A = arith.constant 0 : i32
    %scan3A_14 = arith.constant 0 : i32
    %scan3A_15 = arith.constant 6 : i32
    %scan3A_16 = arith.addi %scan3A_14, %scan3A_15 : i32
    %scan3A_17 = arith.constant 1 : i32
    scf.for %scan3A_38 = %scan3A_14 to %scan3A_16 step %scan3A_17  : i32 {
      %mul3A_39 = arith.constant 4 : i32
      %mul3A_40 = arith.muli %scan3A_38, %mul3A_39 : i32
      %add3A_41 = arith.constant 0 : i32
      %add3A_42 = arith.addi %mul3A_40, %add3A_41 : i32
      %dma_wait3A_43 = tpu.memref_slice %arg2[%mul3A_2] : memref<1572864xi32, #tpu.memory_space<hbm>> -> memref<2048xi32, #tpu.memory_space<hbm>>
      %dma_wait3A_44 = tpu.memref_slice %arg2[%mul3A_2] : memref<1572864xi32, #tpu.memory_space<hbm>> -> memref<2048xi32, #tpu.memory_space<hbm>>
      tpu.wait_dma2 semaphore(%arg14 : memref<!tpu.dma_semaphore, #tpu.memory_space<semaphore_mem>>) src(%dma_wait3A_44 : memref<2048xi32, #tpu.memory_space<hbm>>) dst(%arg6 : memref<2048xi32, #tpu.memory_space<vmem>>)
      %ge3A = arith.constant 4 : i32
      %ge3A_45 = arith.cmpi sge, %add3A_42, %ge3A : i32
      %convert_element_type3A = arith.extui %ge3A_45 : i1 to i32
      %cond3A = arith.constant 0 : i32
      %cond3A_46 = arith.cmpi ne, %convert_element_type3A, %cond3A : i32
      scf.if %cond3A_46 {
        %dma_wait3A_155 = tpu.memref_slice %arg4[%add3A_6] : memref<4194304xi32, #tpu.memory_space<hbm>> -> memref<2048xi32, #tpu.memory_space<hbm>>
        %dma_wait3A_156 = tpu.memref_slice %arg4[%add3A_6] : memref<4194304xi32, #tpu.memory_space<hbm>> -> memref<2048xi32, #tpu.memory_space<hbm>>
        tpu.wait_dma2 semaphore(%arg22 : memref<!tpu.dma_semaphore, #tpu.memory_space<semaphore_mem>>) src(%arg10 : memref<2048xi32, #tpu.memory_space<vmem>>) dst(%dma_wait3A_156 : memref<2048xi32, #tpu.memory_space<hbm>>)
      } else {
      }
      %dma_start3A_47 = arith.constant 0 : i32
      %dma_start3A_48 = tpu.memref_slice %arg3[%dma_start3A_47] : memref<2146689xi32, #tpu.memory_space<hbm>> -> memref<2146689xi32, #tpu.memory_space<hbm>>
      tpu.enqueue_indirect_dma source(%dma_start3A_48 : memref<2146689xi32, #tpu.memory_space<hbm>>) target(%arg10 : memref<2048xi32, #tpu.memory_space<vmem>>) offsets(%arg6 : memref<2048xi32, #tpu.memory_space<vmem>>) semaphore(%arg18 : memref<!tpu.dma_semaphore, #tpu.memory_space<semaphore_mem>>)
      %ge3A_49 = arith.constant 2 : i32
      %ge3A_50 = arith.cmpi sge, %add3A_42, %ge3A_49 : i32
      %convert_element_type3A_51 = arith.extui %ge3A_50 : i1 to i32
      %cond3A_52 = arith.constant 0 : i32
      %cond3A_53 = arith.cmpi ne, %convert_element_type3A_51, %cond3A_52 : i32
      scf.if %cond3A_53 {
        %dma_wait3A_155 = tpu.memref_slice %arg2[%mul3A_2] : memref<1572864xi32, #tpu.memory_space<hbm>> -> memref<2048xi32, #tpu.memory_space<hbm>>
        %dma_wait3A_156 = tpu.memref_slice %arg2[%mul3A_2] : memref<1572864xi32, #tpu.memory_space<hbm>> -> memref<2048xi32, #tpu.memory_space<hbm>>
        tpu.wait_dma2 semaphore(%arg20 : memref<!tpu.dma_semaphore, #tpu.memory_space<semaphore_mem>>) src(%dma_wait3A_156 : memref<2048xi32, #tpu.memory_space<hbm>>) dst(%arg12 : memref<2048xi32, #tpu.memory_space<vmem>>)
      } else {
      }
      %ge3A_54 = arith.constant 2 : i32
      %ge3A_55 = arith.cmpi sge, %add3A_42, %ge3A_54 : i32
      %convert_element_type3A_56 = arith.extui %ge3A_55 : i1 to i32
      %cond3A_57 = arith.constant 0 : i32
      %cond3A_58 = arith.cmpi ne, %convert_element_type3A_56, %cond3A_57 : i32
      scf.if %cond3A_58 {
        %sub3A = arith.constant 2 : i32
        %sub3A_155 = arith.subi %add3A_42, %sub3A : i32
        %mul3A_156 = arith.constant 2048 : i32
        %mul3A_157 = arith.muli %sub3A_155, %mul3A_156 : i32
        %add3A_158 = arith.addi %add3A_6, %mul3A_157 : i32
        %dma_start3A_159 = tpu.memref_slice %arg4[%add3A_158] : memref<4194304xi32, #tpu.memory_space<hbm>> -> memref<2048xi32, #tpu.memory_space<hbm>>
        %dma_start3A_160 = tpu.memref_slice %arg4[%add3A_158] : memref<4194304xi32, #tpu.memory_space<hbm>> -> memref<2048xi32, #tpu.memory_space<hbm>>
        tpu.enqueue_dma source(%arg12 : memref<2048xi32, #tpu.memory_space<vmem>>) target(%dma_start3A_160 : memref<2048xi32, #tpu.memory_space<hbm>>) target_semaphore(%arg24 : memref<!tpu.dma_semaphore, #tpu.memory_space<semaphore_mem>>)
      } else {
      }
      %add3A_59 = arith.constant 2 : i32
      %add3A_60 = arith.addi %add3A_42, %add3A_59 : i32
      %lt3A = arith.constant 24 : i32
      %lt3A_61 = arith.cmpi slt, %add3A_60, %lt3A : i32
      %convert_element_type3A_62 = arith.extui %lt3A_61 : i1 to i32
      %cond3A_63 = arith.constant 0 : i32
      %cond3A_64 = arith.cmpi ne, %convert_element_type3A_62, %cond3A_63 : i32
      scf.if %cond3A_64 {
        %add3A_155 = arith.constant 2 : i32
        %add3A_156 = arith.addi %add3A_42, %add3A_155 : i32
        %mul3A_157 = arith.constant 2048 : i32
        %mul3A_158 = arith.muli %add3A_156, %mul3A_157 : i32
        %add3A_159 = arith.addi %mul3A_2, %mul3A_158 : i32
        %dma_start3A_160 = tpu.memref_slice %arg2[%add3A_159] : memref<1572864xi32, #tpu.memory_space<hbm>> -> memref<2048xi32, #tpu.memory_space<hbm>>
        %dma_start3A_161 = tpu.memref_slice %arg2[%add3A_159] : memref<1572864xi32, #tpu.memory_space<hbm>> -> memref<2048xi32, #tpu.memory_space<hbm>>
        tpu.enqueue_dma source(%dma_start3A_161 : memref<2048xi32, #tpu.memory_space<hbm>>) target(%arg8 : memref<2048xi32, #tpu.memory_space<vmem>>) target_semaphore(%arg16 : memref<!tpu.dma_semaphore, #tpu.memory_space<semaphore_mem>>)
      } else {
      }
      %mul3A_65 = arith.constant 4 : i32
      %mul3A_66 = arith.muli %scan3A_38, %mul3A_65 : i32
      %add3A_67 = arith.constant 1 : i32
      %add3A_68 = arith.addi %mul3A_66, %add3A_67 : i32
      %dma_wait3A_69 = tpu.memref_slice %arg2[%mul3A_2] : memref<1572864xi32, #tpu.memory_space<hbm>> -> memref<2048xi32, #tpu.memory_space<hbm>>
      %dma_wait3A_70 = tpu.memref_slice %arg2[%mul3A_2] : memref<1572864xi32, #tpu.memory_space<hbm>> -> memref<2048xi32, #tpu.memory_space<hbm>>
      tpu.wait_dma2 semaphore(%arg15 : memref<!tpu.dma_semaphore, #tpu.memory_space<semaphore_mem>>) src(%dma_wait3A_70 : memref<2048xi32, #tpu.memory_space<hbm>>) dst(%arg7 : memref<2048xi32, #tpu.memory_space<vmem>>)
      %ge3A_71 = arith.constant 4 : i32
      %ge3A_72 = arith.cmpi sge, %add3A_68, %ge3A_71 : i32
      %convert_element_type3A_73 = arith.extui %ge3A_72 : i1 to i32
      %cond3A_74 = arith.constant 0 : i32
      %cond3A_75 = arith.cmpi ne, %convert_element_type3A_73, %cond3A_74 : i32
      scf.if %cond3A_75 {
        %dma_wait3A_155 = tpu.memref_slice %arg4[%add3A_6] : memref<4194304xi32, #tpu.memory_space<hbm>> -> memref<2048xi32, #tpu.memory_space<hbm>>
        %dma_wait3A_156 = tpu.memref_slice %arg4[%add3A_6] : memref<4194304xi32, #tpu.memory_space<hbm>> -> memref<2048xi32, #tpu.memory_space<hbm>>
        tpu.wait_dma2 semaphore(%arg23 : memref<!tpu.dma_semaphore, #tpu.memory_space<semaphore_mem>>) src(%arg11 : memref<2048xi32, #tpu.memory_space<vmem>>) dst(%dma_wait3A_156 : memref<2048xi32, #tpu.memory_space<hbm>>)
      } else {
      }
      %dma_start3A_76 = arith.constant 0 : i32
      %dma_start3A_77 = tpu.memref_slice %arg3[%dma_start3A_76] : memref<2146689xi32, #tpu.memory_space<hbm>> -> memref<2146689xi32, #tpu.memory_space<hbm>>
      tpu.enqueue_indirect_dma source(%dma_start3A_77 : memref<2146689xi32, #tpu.memory_space<hbm>>) target(%arg11 : memref<2048xi32, #tpu.memory_space<vmem>>) offsets(%arg7 : memref<2048xi32, #tpu.memory_space<vmem>>) semaphore(%arg19 : memref<!tpu.dma_semaphore, #tpu.memory_space<semaphore_mem>>)
      %ge3A_78 = arith.constant 2 : i32
      %ge3A_79 = arith.cmpi sge, %add3A_68, %ge3A_78 : i32
      %convert_element_type3A_80 = arith.extui %ge3A_79 : i1 to i32
      %cond3A_81 = arith.constant 0 : i32
      %cond3A_82 = arith.cmpi ne, %convert_element_type3A_80, %cond3A_81 : i32
      scf.if %cond3A_82 {
        %dma_wait3A_155 = tpu.memref_slice %arg2[%mul3A_2] : memref<1572864xi32, #tpu.memory_space<hbm>> -> memref<2048xi32, #tpu.memory_space<hbm>>
        %dma_wait3A_156 = tpu.memref_slice %arg2[%mul3A_2] : memref<1572864xi32, #tpu.memory_space<hbm>> -> memref<2048xi32, #tpu.memory_space<hbm>>
        tpu.wait_dma2 semaphore(%arg21 : memref<!tpu.dma_semaphore, #tpu.memory_space<semaphore_mem>>) src(%dma_wait3A_156 : memref<2048xi32, #tpu.memory_space<hbm>>) dst(%arg13 : memref<2048xi32, #tpu.memory_space<vmem>>)
      } else {
      }
      %ge3A_83 = arith.constant 2 : i32
      %ge3A_84 = arith.cmpi sge, %add3A_68, %ge3A_83 : i32
      %convert_element_type3A_85 = arith.extui %ge3A_84 : i1 to i32
      %cond3A_86 = arith.constant 0 : i32
      %cond3A_87 = arith.cmpi ne, %convert_element_type3A_85, %cond3A_86 : i32
      scf.if %cond3A_87 {
        %sub3A = arith.constant 2 : i32
        %sub3A_155 = arith.subi %add3A_68, %sub3A : i32
        %mul3A_156 = arith.constant 2048 : i32
        %mul3A_157 = arith.muli %sub3A_155, %mul3A_156 : i32
        %add3A_158 = arith.addi %add3A_6, %mul3A_157 : i32
        %dma_start3A_159 = tpu.memref_slice %arg4[%add3A_158] : memref<4194304xi32, #tpu.memory_space<hbm>> -> memref<2048xi32, #tpu.memory_space<hbm>>
        %dma_start3A_160 = tpu.memref_slice %arg4[%add3A_158] : memref<4194304xi32, #tpu.memory_space<hbm>> -> memref<2048xi32, #tpu.memory_space<hbm>>
        tpu.enqueue_dma source(%arg13 : memref<2048xi32, #tpu.memory_space<vmem>>) target(%dma_start3A_160 : memref<2048xi32, #tpu.memory_space<hbm>>) target_semaphore(%arg25 : memref<!tpu.dma_semaphore, #tpu.memory_space<semaphore_mem>>)
      } else {
      }
      %add3A_88 = arith.constant 2 : i32
      %add3A_89 = arith.addi %add3A_68, %add3A_88 : i32
      %lt3A_90 = arith.constant 24 : i32
      %lt3A_91 = arith.cmpi slt, %add3A_89, %lt3A_90 : i32
      %convert_element_type3A_92 = arith.extui %lt3A_91 : i1 to i32
      %cond3A_93 = arith.constant 0 : i32
      %cond3A_94 = arith.cmpi ne, %convert_element_type3A_92, %cond3A_93 : i32
      scf.if %cond3A_94 {
        %add3A_155 = arith.constant 2 : i32
        %add3A_156 = arith.addi %add3A_68, %add3A_155 : i32
        %mul3A_157 = arith.constant 2048 : i32
        %mul3A_158 = arith.muli %add3A_156, %mul3A_157 : i32
        %add3A_159 = arith.addi %mul3A_2, %mul3A_158 : i32
        %dma_start3A_160 = tpu.memref_slice %arg2[%add3A_159] : memref<1572864xi32, #tpu.memory_space<hbm>> -> memref<2048xi32, #tpu.memory_space<hbm>>
        %dma_start3A_161 = tpu.memref_slice %arg2[%add3A_159] : memref<1572864xi32, #tpu.memory_space<hbm>> -> memref<2048xi32, #tpu.memory_space<hbm>>
        tpu.enqueue_dma source(%dma_start3A_161 : memref<2048xi32, #tpu.memory_space<hbm>>) target(%arg9 : memref<2048xi32, #tpu.memory_space<vmem>>) target_semaphore(%arg17 : memref<!tpu.dma_semaphore, #tpu.memory_space<semaphore_mem>>)
      } else {
      }
      %mul3A_95 = arith.constant 4 : i32
      %mul3A_96 = arith.muli %scan3A_38, %mul3A_95 : i32
      %add3A_97 = arith.constant 2 : i32
      %add3A_98 = arith.addi %mul3A_96, %add3A_97 : i32
      %dma_wait3A_99 = tpu.memref_slice %arg2[%mul3A_2] : memref<1572864xi32, #tpu.memory_space<hbm>> -> memref<2048xi32, #tpu.memory_space<hbm>>
      %dma_wait3A_100 = tpu.memref_slice %arg2[%mul3A_2] : memref<1572864xi32, #tpu.memory_space<hbm>> -> memref<2048xi32, #tpu.memory_space<hbm>>
      tpu.wait_dma2 semaphore(%arg16 : memref<!tpu.dma_semaphore, #tpu.memory_space<semaphore_mem>>) src(%dma_wait3A_100 : memref<2048xi32, #tpu.memory_space<hbm>>) dst(%arg8 : memref<2048xi32, #tpu.memory_space<vmem>>)
      %ge3A_101 = arith.constant 4 : i32
      %ge3A_102 = arith.cmpi sge, %add3A_98, %ge3A_101 : i32
      %convert_element_type3A_103 = arith.extui %ge3A_102 : i1 to i32
      %cond3A_104 = arith.constant 0 : i32
      %cond3A_105 = arith.cmpi ne, %convert_element_type3A_103, %cond3A_104 : i32
      scf.if %cond3A_105 {
        %dma_wait3A_155 = tpu.memref_slice %arg4[%add3A_6] : memref<4194304xi32, #tpu.memory_space<hbm>> -> memref<2048xi32, #tpu.memory_space<hbm>>
        %dma_wait3A_156 = tpu.memref_slice %arg4[%add3A_6] : memref<4194304xi32, #tpu.memory_space<hbm>> -> memref<2048xi32, #tpu.memory_space<hbm>>
        tpu.wait_dma2 semaphore(%arg24 : memref<!tpu.dma_semaphore, #tpu.memory_space<semaphore_mem>>) src(%arg12 : memref<2048xi32, #tpu.memory_space<vmem>>) dst(%dma_wait3A_156 : memref<2048xi32, #tpu.memory_space<hbm>>)
      } else {
      }
      %dma_start3A_106 = arith.constant 0 : i32
      %dma_start3A_107 = tpu.memref_slice %arg3[%dma_start3A_106] : memref<2146689xi32, #tpu.memory_space<hbm>> -> memref<2146689xi32, #tpu.memory_space<hbm>>
      tpu.enqueue_indirect_dma source(%dma_start3A_107 : memref<2146689xi32, #tpu.memory_space<hbm>>) target(%arg12 : memref<2048xi32, #tpu.memory_space<vmem>>) offsets(%arg8 : memref<2048xi32, #tpu.memory_space<vmem>>) semaphore(%arg20 : memref<!tpu.dma_semaphore, #tpu.memory_space<semaphore_mem>>)
      %ge3A_108 = arith.constant 2 : i32
      %ge3A_109 = arith.cmpi sge, %add3A_98, %ge3A_108 : i32
      %convert_element_type3A_110 = arith.extui %ge3A_109 : i1 to i32
      %cond3A_111 = arith.constant 0 : i32
      %cond3A_112 = arith.cmpi ne, %convert_element_type3A_110, %cond3A_111 : i32
      scf.if %cond3A_112 {
        %dma_wait3A_155 = tpu.memref_slice %arg2[%mul3A_2] : memref<1572864xi32, #tpu.memory_space<hbm>> -> memref<2048xi32, #tpu.memory_space<hbm>>
        %dma_wait3A_156 = tpu.memref_slice %arg2[%mul3A_2] : memref<1572864xi32, #tpu.memory_space<hbm>> -> memref<2048xi32, #tpu.memory_space<hbm>>
        tpu.wait_dma2 semaphore(%arg18 : memref<!tpu.dma_semaphore, #tpu.memory_space<semaphore_mem>>) src(%dma_wait3A_156 : memref<2048xi32, #tpu.memory_space<hbm>>) dst(%arg10 : memref<2048xi32, #tpu.memory_space<vmem>>)
      } else {
      }
      %ge3A_113 = arith.constant 2 : i32
      %ge3A_114 = arith.cmpi sge, %add3A_98, %ge3A_113 : i32
      %convert_element_type3A_115 = arith.extui %ge3A_114 : i1 to i32
      %cond3A_116 = arith.constant 0 : i32
      %cond3A_117 = arith.cmpi ne, %convert_element_type3A_115, %cond3A_116 : i32
      scf.if %cond3A_117 {
        %sub3A = arith.constant 2 : i32
        %sub3A_155 = arith.subi %add3A_98, %sub3A : i32
        %mul3A_156 = arith.constant 2048 : i32
        %mul3A_157 = arith.muli %sub3A_155, %mul3A_156 : i32
        %add3A_158 = arith.addi %add3A_6, %mul3A_157 : i32
        %dma_start3A_159 = tpu.memref_slice %arg4[%add3A_158] : memref<4194304xi32, #tpu.memory_space<hbm>> -> memref<2048xi32, #tpu.memory_space<hbm>>
        %dma_start3A_160 = tpu.memref_slice %arg4[%add3A_158] : memref<4194304xi32, #tpu.memory_space<hbm>> -> memref<2048xi32, #tpu.memory_space<hbm>>
        tpu.enqueue_dma source(%arg10 : memref<2048xi32, #tpu.memory_space<vmem>>) target(%dma_start3A_160 : memref<2048xi32, #tpu.memory_space<hbm>>) target_semaphore(%arg22 : memref<!tpu.dma_semaphore, #tpu.memory_space<semaphore_mem>>)
      } else {
      }
      %add3A_118 = arith.constant 2 : i32
      %add3A_119 = arith.addi %add3A_98, %add3A_118 : i32
      %lt3A_120 = arith.constant 24 : i32
      %lt3A_121 = arith.cmpi slt, %add3A_119, %lt3A_120 : i32
      %convert_element_type3A_122 = arith.extui %lt3A_121 : i1 to i32
      %cond3A_123 = arith.constant 0 : i32
      %cond3A_124 = arith.cmpi ne, %convert_element_type3A_122, %cond3A_123 : i32
      scf.if %cond3A_124 {
        %add3A_155 = arith.constant 2 : i32
        %add3A_156 = arith.addi %add3A_98, %add3A_155 : i32
        %mul3A_157 = arith.constant 2048 : i32
        %mul3A_158 = arith.muli %add3A_156, %mul3A_157 : i32
        %add3A_159 = arith.addi %mul3A_2, %mul3A_158 : i32
        %dma_start3A_160 = tpu.memref_slice %arg2[%add3A_159] : memref<1572864xi32, #tpu.memory_space<hbm>> -> memref<2048xi32, #tpu.memory_space<hbm>>
        %dma_start3A_161 = tpu.memref_slice %arg2[%add3A_159] : memref<1572864xi32, #tpu.memory_space<hbm>> -> memref<2048xi32, #tpu.memory_space<hbm>>
        tpu.enqueue_dma source(%dma_start3A_161 : memref<2048xi32, #tpu.memory_space<hbm>>) target(%arg6 : memref<2048xi32, #tpu.memory_space<vmem>>) target_semaphore(%arg14 : memref<!tpu.dma_semaphore, #tpu.memory_space<semaphore_mem>>)
      } else {
      }
      %mul3A_125 = arith.constant 4 : i32
      %mul3A_126 = arith.muli %scan3A_38, %mul3A_125 : i32
      %add3A_127 = arith.constant 3 : i32
      %add3A_128 = arith.addi %mul3A_126, %add3A_127 : i32
      %dma_wait3A_129 = tpu.memref_slice %arg2[%mul3A_2] : memref<1572864xi32, #tpu.memory_space<hbm>> -> memref<2048xi32, #tpu.memory_space<hbm>>
      %dma_wait3A_130 = tpu.memref_slice %arg2[%mul3A_2] : memref<1572864xi32, #tpu.memory_space<hbm>> -> memref<2048xi32, #tpu.memory_space<hbm>>
      tpu.wait_dma2 semaphore(%arg17 : memref<!tpu.dma_semaphore, #tpu.memory_space<semaphore_mem>>) src(%dma_wait3A_130 : memref<2048xi32, #tpu.memory_space<hbm>>) dst(%arg9 : memref<2048xi32, #tpu.memory_space<vmem>>)
      %ge3A_131 = arith.constant 4 : i32
      %ge3A_132 = arith.cmpi sge, %add3A_128, %ge3A_131 : i32
      %convert_element_type3A_133 = arith.extui %ge3A_132 : i1 to i32
      %cond3A_134 = arith.constant 0 : i32
      %cond3A_135 = arith.cmpi ne, %convert_element_type3A_133, %cond3A_134 : i32
      scf.if %cond3A_135 {
        %dma_wait3A_155 = tpu.memref_slice %arg4[%add3A_6] : memref<4194304xi32, #tpu.memory_space<hbm>> -> memref<2048xi32, #tpu.memory_space<hbm>>
        %dma_wait3A_156 = tpu.memref_slice %arg4[%add3A_6] : memref<4194304xi32, #tpu.memory_space<hbm>> -> memref<2048xi32, #tpu.memory_space<hbm>>
        tpu.wait_dma2 semaphore(%arg25 : memref<!tpu.dma_semaphore, #tpu.memory_space<semaphore_mem>>) src(%arg13 : memref<2048xi32, #tpu.memory_space<vmem>>) dst(%dma_wait3A_156 : memref<2048xi32, #tpu.memory_space<hbm>>)
      } else {
      }
      %dma_start3A_136 = arith.constant 0 : i32
      %dma_start3A_137 = tpu.memref_slice %arg3[%dma_start3A_136] : memref<2146689xi32, #tpu.memory_space<hbm>> -> memref<2146689xi32, #tpu.memory_space<hbm>>
      tpu.enqueue_indirect_dma source(%dma_start3A_137 : memref<2146689xi32, #tpu.memory_space<hbm>>) target(%arg13 : memref<2048xi32, #tpu.memory_space<vmem>>) offsets(%arg9 : memref<2048xi32, #tpu.memory_space<vmem>>) semaphore(%arg21 : memref<!tpu.dma_semaphore, #tpu.memory_space<semaphore_mem>>)
      %ge3A_138 = arith.constant 2 : i32
      %ge3A_139 = arith.cmpi sge, %add3A_128, %ge3A_138 : i32
      %convert_element_type3A_140 = arith.extui %ge3A_139 : i1 to i32
      %cond3A_141 = arith.constant 0 : i32
      %cond3A_142 = arith.cmpi ne, %convert_element_type3A_140, %cond3A_141 : i32
      scf.if %cond3A_142 {
        %dma_wait3A_155 = tpu.memref_slice %arg2[%mul3A_2] : memref<1572864xi32, #tpu.memory_space<hbm>> -> memref<2048xi32, #tpu.memory_space<hbm>>
        %dma_wait3A_156 = tpu.memref_slice %arg2[%mul3A_2] : memref<1572864xi32, #tpu.memory_space<hbm>> -> memref<2048xi32, #tpu.memory_space<hbm>>
        tpu.wait_dma2 semaphore(%arg19 : memref<!tpu.dma_semaphore, #tpu.memory_space<semaphore_mem>>) src(%dma_wait3A_156 : memref<2048xi32, #tpu.memory_space<hbm>>) dst(%arg11 : memref<2048xi32, #tpu.memory_space<vmem>>)
      } else {
      }
      %ge3A_143 = arith.constant 2 : i32
      %ge3A_144 = arith.cmpi sge, %add3A_128, %ge3A_143 : i32
      %convert_element_type3A_145 = arith.extui %ge3A_144 : i1 to i32
      %cond3A_146 = arith.constant 0 : i32
      %cond3A_147 = arith.cmpi ne, %convert_element_type3A_145, %cond3A_146 : i32
      scf.if %cond3A_147 {
        %sub3A = arith.constant 2 : i32
        %sub3A_155 = arith.subi %add3A_128, %sub3A : i32
        %mul3A_156 = arith.constant 2048 : i32
        %mul3A_157 = arith.muli %sub3A_155, %mul3A_156 : i32
        %add3A_158 = arith.addi %add3A_6, %mul3A_157 : i32
        %dma_start3A_159 = tpu.memref_slice %arg4[%add3A_158] : memref<4194304xi32, #tpu.memory_space<hbm>> -> memref<2048xi32, #tpu.memory_space<hbm>>
        %dma_start3A_160 = tpu.memref_slice %arg4[%add3A_158] : memref<4194304xi32, #tpu.memory_space<hbm>> -> memref<2048xi32, #tpu.memory_space<hbm>>
        tpu.enqueue_dma source(%arg11 : memref<2048xi32, #tpu.memory_space<vmem>>) target(%dma_start3A_160 : memref<2048xi32, #tpu.memory_space<hbm>>) target_semaphore(%arg23 : memref<!tpu.dma_semaphore, #tpu.memory_space<semaphore_mem>>)
      } else {
      }
      %add3A_148 = arith.constant 2 : i32
      %add3A_149 = arith.addi %add3A_128, %add3A_148 : i32
      %lt3A_150 = arith.constant 24 : i32
      %lt3A_151 = arith.cmpi slt, %add3A_149, %lt3A_150 : i32
      %convert_element_type3A_152 = arith.extui %lt3A_151 : i1 to i32
      %cond3A_153 = arith.constant 0 : i32
      %cond3A_154 = arith.cmpi ne, %convert_element_type3A_152, %cond3A_153 : i32
      scf.if %cond3A_154 {
        %add3A_155 = arith.constant 2 : i32
        %add3A_156 = arith.addi %add3A_128, %add3A_155 : i32
        %mul3A_157 = arith.constant 2048 : i32
        %mul3A_158 = arith.muli %add3A_156, %mul3A_157 : i32
        %add3A_159 = arith.addi %mul3A_2, %mul3A_158 : i32
        %dma_start3A_160 = tpu.memref_slice %arg2[%add3A_159] : memref<1572864xi32, #tpu.memory_space<hbm>> -> memref<2048xi32, #tpu.memory_space<hbm>>
        %dma_start3A_161 = tpu.memref_slice %arg2[%add3A_159] : memref<1572864xi32, #tpu.memory_space<hbm>> -> memref<2048xi32, #tpu.memory_space<hbm>>
        tpu.enqueue_dma source(%dma_start3A_161 : memref<2048xi32, #tpu.memory_space<hbm>>) target(%arg7 : memref<2048xi32, #tpu.memory_space<vmem>>) target_semaphore(%arg15 : memref<!tpu.dma_semaphore, #tpu.memory_space<semaphore_mem>>)
      } else {
      }
    }
    %scan3A_18 = arith.constant 6 : i32
    %dma_wait3A = tpu.memref_slice %arg2[%mul3A_2] : memref<1572864xi32, #tpu.memory_space<hbm>> -> memref<2048xi32, #tpu.memory_space<hbm>>
    %dma_wait3A_19 = tpu.memref_slice %arg2[%mul3A_2] : memref<1572864xi32, #tpu.memory_space<hbm>> -> memref<2048xi32, #tpu.memory_space<hbm>>
    tpu.wait_dma2 semaphore(%arg20 : memref<!tpu.dma_semaphore, #tpu.memory_space<semaphore_mem>>) src(%dma_wait3A_19 : memref<2048xi32, #tpu.memory_space<hbm>>) dst(%arg12 : memref<2048xi32, #tpu.memory_space<vmem>>)
    %add3A_20 = arith.constant 45056 : i32
    %add3A_21 = arith.addi %add3A_6, %add3A_20 : i32
    %dma_start3A_22 = tpu.memref_slice %arg4[%add3A_21] : memref<4194304xi32, #tpu.memory_space<hbm>> -> memref<2048xi32, #tpu.memory_space<hbm>>
    %dma_start3A_23 = tpu.memref_slice %arg4[%add3A_21] : memref<4194304xi32, #tpu.memory_space<hbm>> -> memref<2048xi32, #tpu.memory_space<hbm>>
    tpu.enqueue_dma source(%arg12 : memref<2048xi32, #tpu.memory_space<vmem>>) target(%dma_start3A_23 : memref<2048xi32, #tpu.memory_space<hbm>>) target_semaphore(%arg24 : memref<!tpu.dma_semaphore, #tpu.memory_space<semaphore_mem>>)
    %dma_wait3A_24 = tpu.memref_slice %arg2[%mul3A_2] : memref<1572864xi32, #tpu.memory_space<hbm>> -> memref<2048xi32, #tpu.memory_space<hbm>>
    %dma_wait3A_25 = tpu.memref_slice %arg2[%mul3A_2] : memref<1572864xi32, #tpu.memory_space<hbm>> -> memref<2048xi32, #tpu.memory_space<hbm>>
    tpu.wait_dma2 semaphore(%arg21 : memref<!tpu.dma_semaphore, #tpu.memory_space<semaphore_mem>>) src(%dma_wait3A_25 : memref<2048xi32, #tpu.memory_space<hbm>>) dst(%arg13 : memref<2048xi32, #tpu.memory_space<vmem>>)
    %add3A_26 = arith.constant 47104 : i32
    %add3A_27 = arith.addi %add3A_6, %add3A_26 : i32
    %dma_start3A_28 = tpu.memref_slice %arg4[%add3A_27] : memref<4194304xi32, #tpu.memory_space<hbm>> -> memref<2048xi32, #tpu.memory_space<hbm>>
    %dma_start3A_29 = tpu.memref_slice %arg4[%add3A_27] : memref<4194304xi32, #tpu.memory_space<hbm>> -> memref<2048xi32, #tpu.memory_space<hbm>>
    tpu.enqueue_dma source(%arg13 : memref<2048xi32, #tpu.memory_space<vmem>>) target(%dma_start3A_29 : memref<2048xi32, #tpu.memory_space<hbm>>) target_semaphore(%arg25 : memref<!tpu.dma_semaphore, #tpu.memory_space<semaphore_mem>>)
    %dma_wait3A_30 = tpu.memref_slice %arg4[%add3A_6] : memref<4194304xi32, #tpu.memory_space<hbm>> -> memref<2048xi32, #tpu.memory_space<hbm>>
    %dma_wait3A_31 = tpu.memref_slice %arg4[%add3A_6] : memref<4194304xi32, #tpu.memory_space<hbm>> -> memref<2048xi32, #tpu.memory_space<hbm>>
    tpu.wait_dma2 semaphore(%arg22 : memref<!tpu.dma_semaphore, #tpu.memory_space<semaphore_mem>>) src(%arg10 : memref<2048xi32, #tpu.memory_space<vmem>>) dst(%dma_wait3A_31 : memref<2048xi32, #tpu.memory_space<hbm>>)
    %dma_wait3A_32 = tpu.memref_slice %arg4[%add3A_6] : memref<4194304xi32, #tpu.memory_space<hbm>> -> memref<2048xi32, #tpu.memory_space<hbm>>
    %dma_wait3A_33 = tpu.memref_slice %arg4[%add3A_6] : memref<4194304xi32, #tpu.memory_space<hbm>> -> memref<2048xi32, #tpu.memory_space<hbm>>
    tpu.wait_dma2 semaphore(%arg23 : memref<!tpu.dma_semaphore, #tpu.memory_space<semaphore_mem>>) src(%arg11 : memref<2048xi32, #tpu.memory_space<vmem>>) dst(%dma_wait3A_33 : memref<2048xi32, #tpu.memory_space<hbm>>)
    %dma_wait3A_34 = tpu.memref_slice %arg4[%add3A_6] : memref<4194304xi32, #tpu.memory_space<hbm>> -> memref<2048xi32, #tpu.memory_space<hbm>>
    %dma_wait3A_35 = tpu.memref_slice %arg4[%add3A_6] : memref<4194304xi32, #tpu.memory_space<hbm>> -> memref<2048xi32, #tpu.memory_space<hbm>>
    tpu.wait_dma2 semaphore(%arg24 : memref<!tpu.dma_semaphore, #tpu.memory_space<semaphore_mem>>) src(%arg12 : memref<2048xi32, #tpu.memory_space<vmem>>) dst(%dma_wait3A_35 : memref<2048xi32, #tpu.memory_space<hbm>>)
    %dma_wait3A_36 = tpu.memref_slice %arg4[%add3A_6] : memref<4194304xi32, #tpu.memory_space<hbm>> -> memref<2048xi32, #tpu.memory_space<hbm>>
    %dma_wait3A_37 = tpu.memref_slice %arg4[%add3A_6] : memref<4194304xi32, #tpu.memory_space<hbm>> -> memref<2048xi32, #tpu.memory_space<hbm>>
    tpu.wait_dma2 semaphore(%arg25 : memref<!tpu.dma_semaphore, #tpu.memory_space<semaphore_mem>>) src(%arg13 : memref<2048xi32, #tpu.memory_space<vmem>>) dst(%dma_wait3A_37 : memref<2048xi32, #tpu.memory_space<hbm>>)
    return
  }
}

#map = affine_map<(d0, d1) -> (0)>
module attributes {stable_mosaic.version = 14 : i64} {
  func.func @new_body(%arg0: i32, %arg1: i32, %arg2: memref<2621440xi32, #tpu.memory_space<hbm>>, %arg3: memref<2146689xi32, #tpu.memory_space<hbm>>, %arg4: memref<4194304xi32, #tpu.memory_space<hbm>>, %arg5: memref<4194304xi32, #tpu.memory_space<hbm>>, %arg6: memref<2048xi32, #tpu.memory_space<vmem>>, %arg7: memref<2048xi32, #tpu.memory_space<vmem>>, %arg8: memref<2048xi32, #tpu.memory_space<vmem>>, %arg9: memref<2048xi32, #tpu.memory_space<vmem>>, %arg10: memref<2048xi32, #tpu.memory_space<vmem>>, %arg11: memref<2048xi32, #tpu.memory_space<vmem>>, %arg12: memref<2048xi32, #tpu.memory_space<vmem>>, %arg13: memref<2048xi32, #tpu.memory_space<vmem>>, %arg14: memref<!tpu.dma_semaphore, #tpu.memory_space<semaphore_mem>>, %arg15: memref<!tpu.dma_semaphore, #tpu.memory_space<semaphore_mem>>, %arg16: memref<!tpu.dma_semaphore, #tpu.memory_space<semaphore_mem>>, %arg17: memref<!tpu.dma_semaphore, #tpu.memory_space<semaphore_mem>>, %arg18: memref<!tpu.dma_semaphore, #tpu.memory_space<semaphore_mem>>, %arg19: memref<!tpu.dma_semaphore, #tpu.memory_space<semaphore_mem>>, %arg20: memref<!tpu.dma_semaphore, #tpu.memory_space<semaphore_mem>>, %arg21: memref<!tpu.dma_semaphore, #tpu.memory_space<semaphore_mem>>, %arg22: memref<!tpu.dma_semaphore, #tpu.memory_space<semaphore_mem>>, %arg23: memref<!tpu.dma_semaphore, #tpu.memory_space<semaphore_mem>>, %arg24: memref<!tpu.dma_semaphore, #tpu.memory_space<semaphore_mem>>, %arg25: memref<!tpu.dma_semaphore, #tpu.memory_space<semaphore_mem>>) attributes {dimension_semantics = [#tpu.dimension_semantics<core_parallel>, #tpu.dimension_semantics<subcore_parallel>], iteration_bounds = array<i64: 2, 16>, scalar_prefetch = 0 : i64, scratch_operands = 20 : i64, tpu.core_type = #tpu.core_type<sc_vector_subcore>, window_params = [{transform_indices = #map}, {transform_indices = #map}, {transform_indices = #map}, {transform_indices = #map}]} {
    %mul3A = arith.constant 2 : i32
    %mul3A_0 = arith.muli %arg1, %mul3A : i32
    %add3A = arith.addi %mul3A_0, %arg0 : i32
    %mul3A_1 = arith.constant 81920 : i32
    %mul3A_2 = arith.muli %add3A, %mul3A_1 : i32
    %mul3A_3 = arith.constant 81920 : i32
    %mul3A_4 = arith.muli %add3A, %mul3A_3 : i32
    %add3A_5 = arith.constant 1572864 : i32
    %add3A_6 = arith.addi %add3A_5, %mul3A_4 : i32
    %add3A_7 = arith.constant 0 : i32
    %add3A_8 = arith.addi %mul3A_2, %add3A_7 : i32
    %dma_start3A = tpu.memref_slice %arg2[%add3A_8] : memref<2621440xi32, #tpu.memory_space<hbm>> -> memref<2048xi32, #tpu.memory_space<hbm>>
    %dma_start3A_9 = tpu.memref_slice %arg2[%add3A_8] : memref<2621440xi32, #tpu.memory_space<hbm>> -> memref<2048xi32, #tpu.memory_space<hbm>>
    tpu.enqueue_dma source(%dma_start3A_9 : memref<2048xi32, #tpu.memory_space<hbm>>) target(%arg6 : memref<2048xi32, #tpu.memory_space<vmem>>) target_semaphore(%arg14 : memref<!tpu.dma_semaphore, #tpu.memory_space<semaphore_mem>>)
    %add3A_10 = arith.constant 2048 : i32
    %add3A_11 = arith.addi %mul3A_2, %add3A_10 : i32
    %dma_start3A_12 = tpu.memref_slice %arg2[%add3A_11] : memref<2621440xi32, #tpu.memory_space<hbm>> -> memref<2048xi32, #tpu.memory_space<hbm>>
    %dma_start3A_13 = tpu.memref_slice %arg2[%add3A_11] : memref<2621440xi32, #tpu.memory_space<hbm>> -> memref<2048xi32, #tpu.memory_space<hbm>>
    tpu.enqueue_dma source(%dma_start3A_13 : memref<2048xi32, #tpu.memory_space<hbm>>) target(%arg7 : memref<2048xi32, #tpu.memory_space<vmem>>) target_semaphore(%arg15 : memref<!tpu.dma_semaphore, #tpu.memory_space<semaphore_mem>>)
    %scan3A = arith.constant 0 : i32
    %scan3A_14 = arith.constant 0 : i32
    %scan3A_15 = arith.constant 10 : i32
    %scan3A_16 = arith.addi %scan3A_14, %scan3A_15 : i32
    %scan3A_17 = arith.constant 1 : i32
    scf.for %scan3A_38 = %scan3A_14 to %scan3A_16 step %scan3A_17  : i32 {
      %mul3A_39 = arith.constant 4 : i32
      %mul3A_40 = arith.muli %scan3A_38, %mul3A_39 : i32
      %add3A_41 = arith.constant 0 : i32
      %add3A_42 = arith.addi %mul3A_40, %add3A_41 : i32
      %dma_wait3A_43 = tpu.memref_slice %arg2[%mul3A_2] : memref<2621440xi32, #tpu.memory_space<hbm>> -> memref<2048xi32, #tpu.memory_space<hbm>>
      %dma_wait3A_44 = tpu.memref_slice %arg2[%mul3A_2] : memref<2621440xi32, #tpu.memory_space<hbm>> -> memref<2048xi32, #tpu.memory_space<hbm>>
      tpu.wait_dma2 semaphore(%arg14 : memref<!tpu.dma_semaphore, #tpu.memory_space<semaphore_mem>>) src(%dma_wait3A_44 : memref<2048xi32, #tpu.memory_space<hbm>>) dst(%arg6 : memref<2048xi32, #tpu.memory_space<vmem>>)
      %ge3A = arith.constant 4 : i32
      %ge3A_45 = arith.cmpi sge, %add3A_42, %ge3A : i32
      %convert_element_type3A = arith.extui %ge3A_45 : i1 to i32
      %cond3A = arith.constant 0 : i32
      %cond3A_46 = arith.cmpi ne, %convert_element_type3A, %cond3A : i32
      scf.if %cond3A_46 {
        %dma_wait3A_155 = tpu.memref_slice %arg4[%add3A_6] : memref<4194304xi32, #tpu.memory_space<hbm>> -> memref<2048xi32, #tpu.memory_space<hbm>>
        %dma_wait3A_156 = tpu.memref_slice %arg4[%add3A_6] : memref<4194304xi32, #tpu.memory_space<hbm>> -> memref<2048xi32, #tpu.memory_space<hbm>>
        tpu.wait_dma2 semaphore(%arg22 : memref<!tpu.dma_semaphore, #tpu.memory_space<semaphore_mem>>) src(%arg10 : memref<2048xi32, #tpu.memory_space<vmem>>) dst(%dma_wait3A_156 : memref<2048xi32, #tpu.memory_space<hbm>>)
      } else {
      }
      %dma_start3A_47 = arith.constant 0 : i32
      %dma_start3A_48 = tpu.memref_slice %arg3[%dma_start3A_47] : memref<2146689xi32, #tpu.memory_space<hbm>> -> memref<2146689xi32, #tpu.memory_space<hbm>>
      tpu.enqueue_indirect_dma source(%dma_start3A_48 : memref<2146689xi32, #tpu.memory_space<hbm>>) target(%arg10 : memref<2048xi32, #tpu.memory_space<vmem>>) offsets(%arg6 : memref<2048xi32, #tpu.memory_space<vmem>>) semaphore(%arg18 : memref<!tpu.dma_semaphore, #tpu.memory_space<semaphore_mem>>)
      %ge3A_49 = arith.constant 2 : i32
      %ge3A_50 = arith.cmpi sge, %add3A_42, %ge3A_49 : i32
      %convert_element_type3A_51 = arith.extui %ge3A_50 : i1 to i32
      %cond3A_52 = arith.constant 0 : i32
      %cond3A_53 = arith.cmpi ne, %convert_element_type3A_51, %cond3A_52 : i32
      scf.if %cond3A_53 {
        %dma_wait3A_155 = tpu.memref_slice %arg2[%mul3A_2] : memref<2621440xi32, #tpu.memory_space<hbm>> -> memref<2048xi32, #tpu.memory_space<hbm>>
        %dma_wait3A_156 = tpu.memref_slice %arg2[%mul3A_2] : memref<2621440xi32, #tpu.memory_space<hbm>> -> memref<2048xi32, #tpu.memory_space<hbm>>
        tpu.wait_dma2 semaphore(%arg20 : memref<!tpu.dma_semaphore, #tpu.memory_space<semaphore_mem>>) src(%dma_wait3A_156 : memref<2048xi32, #tpu.memory_space<hbm>>) dst(%arg12 : memref<2048xi32, #tpu.memory_space<vmem>>)
      } else {
      }
      %ge3A_54 = arith.constant 2 : i32
      %ge3A_55 = arith.cmpi sge, %add3A_42, %ge3A_54 : i32
      %convert_element_type3A_56 = arith.extui %ge3A_55 : i1 to i32
      %cond3A_57 = arith.constant 0 : i32
      %cond3A_58 = arith.cmpi ne, %convert_element_type3A_56, %cond3A_57 : i32
      scf.if %cond3A_58 {
        %sub3A = arith.constant 2 : i32
        %sub3A_155 = arith.subi %add3A_42, %sub3A : i32
        %mul3A_156 = arith.constant 2048 : i32
        %mul3A_157 = arith.muli %sub3A_155, %mul3A_156 : i32
        %add3A_158 = arith.addi %add3A_6, %mul3A_157 : i32
        %dma_start3A_159 = tpu.memref_slice %arg4[%add3A_158] : memref<4194304xi32, #tpu.memory_space<hbm>> -> memref<2048xi32, #tpu.memory_space<hbm>>
        %dma_start3A_160 = tpu.memref_slice %arg4[%add3A_158] : memref<4194304xi32, #tpu.memory_space<hbm>> -> memref<2048xi32, #tpu.memory_space<hbm>>
        tpu.enqueue_dma source(%arg12 : memref<2048xi32, #tpu.memory_space<vmem>>) target(%dma_start3A_160 : memref<2048xi32, #tpu.memory_space<hbm>>) target_semaphore(%arg24 : memref<!tpu.dma_semaphore, #tpu.memory_space<semaphore_mem>>)
      } else {
      }
      %add3A_59 = arith.constant 2 : i32
      %add3A_60 = arith.addi %add3A_42, %add3A_59 : i32
      %lt3A = arith.constant 40 : i32
      %lt3A_61 = arith.cmpi slt, %add3A_60, %lt3A : i32
      %convert_element_type3A_62 = arith.extui %lt3A_61 : i1 to i32
      %cond3A_63 = arith.constant 0 : i32
      %cond3A_64 = arith.cmpi ne, %convert_element_type3A_62, %cond3A_63 : i32
      scf.if %cond3A_64 {
        %add3A_155 = arith.constant 2 : i32
        %add3A_156 = arith.addi %add3A_42, %add3A_155 : i32
        %mul3A_157 = arith.constant 2048 : i32
        %mul3A_158 = arith.muli %add3A_156, %mul3A_157 : i32
        %add3A_159 = arith.addi %mul3A_2, %mul3A_158 : i32
        %dma_start3A_160 = tpu.memref_slice %arg2[%add3A_159] : memref<2621440xi32, #tpu.memory_space<hbm>> -> memref<2048xi32, #tpu.memory_space<hbm>>
        %dma_start3A_161 = tpu.memref_slice %arg2[%add3A_159] : memref<2621440xi32, #tpu.memory_space<hbm>> -> memref<2048xi32, #tpu.memory_space<hbm>>
        tpu.enqueue_dma source(%dma_start3A_161 : memref<2048xi32, #tpu.memory_space<hbm>>) target(%arg8 : memref<2048xi32, #tpu.memory_space<vmem>>) target_semaphore(%arg16 : memref<!tpu.dma_semaphore, #tpu.memory_space<semaphore_mem>>)
      } else {
      }
      %mul3A_65 = arith.constant 4 : i32
      %mul3A_66 = arith.muli %scan3A_38, %mul3A_65 : i32
      %add3A_67 = arith.constant 1 : i32
      %add3A_68 = arith.addi %mul3A_66, %add3A_67 : i32
      %dma_wait3A_69 = tpu.memref_slice %arg2[%mul3A_2] : memref<2621440xi32, #tpu.memory_space<hbm>> -> memref<2048xi32, #tpu.memory_space<hbm>>
      %dma_wait3A_70 = tpu.memref_slice %arg2[%mul3A_2] : memref<2621440xi32, #tpu.memory_space<hbm>> -> memref<2048xi32, #tpu.memory_space<hbm>>
      tpu.wait_dma2 semaphore(%arg15 : memref<!tpu.dma_semaphore, #tpu.memory_space<semaphore_mem>>) src(%dma_wait3A_70 : memref<2048xi32, #tpu.memory_space<hbm>>) dst(%arg7 : memref<2048xi32, #tpu.memory_space<vmem>>)
      %ge3A_71 = arith.constant 4 : i32
      %ge3A_72 = arith.cmpi sge, %add3A_68, %ge3A_71 : i32
      %convert_element_type3A_73 = arith.extui %ge3A_72 : i1 to i32
      %cond3A_74 = arith.constant 0 : i32
      %cond3A_75 = arith.cmpi ne, %convert_element_type3A_73, %cond3A_74 : i32
      scf.if %cond3A_75 {
        %dma_wait3A_155 = tpu.memref_slice %arg4[%add3A_6] : memref<4194304xi32, #tpu.memory_space<hbm>> -> memref<2048xi32, #tpu.memory_space<hbm>>
        %dma_wait3A_156 = tpu.memref_slice %arg4[%add3A_6] : memref<4194304xi32, #tpu.memory_space<hbm>> -> memref<2048xi32, #tpu.memory_space<hbm>>
        tpu.wait_dma2 semaphore(%arg23 : memref<!tpu.dma_semaphore, #tpu.memory_space<semaphore_mem>>) src(%arg11 : memref<2048xi32, #tpu.memory_space<vmem>>) dst(%dma_wait3A_156 : memref<2048xi32, #tpu.memory_space<hbm>>)
      } else {
      }
      %dma_start3A_76 = arith.constant 0 : i32
      %dma_start3A_77 = tpu.memref_slice %arg3[%dma_start3A_76] : memref<2146689xi32, #tpu.memory_space<hbm>> -> memref<2146689xi32, #tpu.memory_space<hbm>>
      tpu.enqueue_indirect_dma source(%dma_start3A_77 : memref<2146689xi32, #tpu.memory_space<hbm>>) target(%arg11 : memref<2048xi32, #tpu.memory_space<vmem>>) offsets(%arg7 : memref<2048xi32, #tpu.memory_space<vmem>>) semaphore(%arg19 : memref<!tpu.dma_semaphore, #tpu.memory_space<semaphore_mem>>)
      %ge3A_78 = arith.constant 2 : i32
      %ge3A_79 = arith.cmpi sge, %add3A_68, %ge3A_78 : i32
      %convert_element_type3A_80 = arith.extui %ge3A_79 : i1 to i32
      %cond3A_81 = arith.constant 0 : i32
      %cond3A_82 = arith.cmpi ne, %convert_element_type3A_80, %cond3A_81 : i32
      scf.if %cond3A_82 {
        %dma_wait3A_155 = tpu.memref_slice %arg2[%mul3A_2] : memref<2621440xi32, #tpu.memory_space<hbm>> -> memref<2048xi32, #tpu.memory_space<hbm>>
        %dma_wait3A_156 = tpu.memref_slice %arg2[%mul3A_2] : memref<2621440xi32, #tpu.memory_space<hbm>> -> memref<2048xi32, #tpu.memory_space<hbm>>
        tpu.wait_dma2 semaphore(%arg21 : memref<!tpu.dma_semaphore, #tpu.memory_space<semaphore_mem>>) src(%dma_wait3A_156 : memref<2048xi32, #tpu.memory_space<hbm>>) dst(%arg13 : memref<2048xi32, #tpu.memory_space<vmem>>)
      } else {
      }
      %ge3A_83 = arith.constant 2 : i32
      %ge3A_84 = arith.cmpi sge, %add3A_68, %ge3A_83 : i32
      %convert_element_type3A_85 = arith.extui %ge3A_84 : i1 to i32
      %cond3A_86 = arith.constant 0 : i32
      %cond3A_87 = arith.cmpi ne, %convert_element_type3A_85, %cond3A_86 : i32
      scf.if %cond3A_87 {
        %sub3A = arith.constant 2 : i32
        %sub3A_155 = arith.subi %add3A_68, %sub3A : i32
        %mul3A_156 = arith.constant 2048 : i32
        %mul3A_157 = arith.muli %sub3A_155, %mul3A_156 : i32
        %add3A_158 = arith.addi %add3A_6, %mul3A_157 : i32
        %dma_start3A_159 = tpu.memref_slice %arg4[%add3A_158] : memref<4194304xi32, #tpu.memory_space<hbm>> -> memref<2048xi32, #tpu.memory_space<hbm>>
        %dma_start3A_160 = tpu.memref_slice %arg4[%add3A_158] : memref<4194304xi32, #tpu.memory_space<hbm>> -> memref<2048xi32, #tpu.memory_space<hbm>>
        tpu.enqueue_dma source(%arg13 : memref<2048xi32, #tpu.memory_space<vmem>>) target(%dma_start3A_160 : memref<2048xi32, #tpu.memory_space<hbm>>) target_semaphore(%arg25 : memref<!tpu.dma_semaphore, #tpu.memory_space<semaphore_mem>>)
      } else {
      }
      %add3A_88 = arith.constant 2 : i32
      %add3A_89 = arith.addi %add3A_68, %add3A_88 : i32
      %lt3A_90 = arith.constant 40 : i32
      %lt3A_91 = arith.cmpi slt, %add3A_89, %lt3A_90 : i32
      %convert_element_type3A_92 = arith.extui %lt3A_91 : i1 to i32
      %cond3A_93 = arith.constant 0 : i32
      %cond3A_94 = arith.cmpi ne, %convert_element_type3A_92, %cond3A_93 : i32
      scf.if %cond3A_94 {
        %add3A_155 = arith.constant 2 : i32
        %add3A_156 = arith.addi %add3A_68, %add3A_155 : i32
        %mul3A_157 = arith.constant 2048 : i32
        %mul3A_158 = arith.muli %add3A_156, %mul3A_157 : i32
        %add3A_159 = arith.addi %mul3A_2, %mul3A_158 : i32
        %dma_start3A_160 = tpu.memref_slice %arg2[%add3A_159] : memref<2621440xi32, #tpu.memory_space<hbm>> -> memref<2048xi32, #tpu.memory_space<hbm>>
        %dma_start3A_161 = tpu.memref_slice %arg2[%add3A_159] : memref<2621440xi32, #tpu.memory_space<hbm>> -> memref<2048xi32, #tpu.memory_space<hbm>>
        tpu.enqueue_dma source(%dma_start3A_161 : memref<2048xi32, #tpu.memory_space<hbm>>) target(%arg9 : memref<2048xi32, #tpu.memory_space<vmem>>) target_semaphore(%arg17 : memref<!tpu.dma_semaphore, #tpu.memory_space<semaphore_mem>>)
      } else {
      }
      %mul3A_95 = arith.constant 4 : i32
      %mul3A_96 = arith.muli %scan3A_38, %mul3A_95 : i32
      %add3A_97 = arith.constant 2 : i32
      %add3A_98 = arith.addi %mul3A_96, %add3A_97 : i32
      %dma_wait3A_99 = tpu.memref_slice %arg2[%mul3A_2] : memref<2621440xi32, #tpu.memory_space<hbm>> -> memref<2048xi32, #tpu.memory_space<hbm>>
      %dma_wait3A_100 = tpu.memref_slice %arg2[%mul3A_2] : memref<2621440xi32, #tpu.memory_space<hbm>> -> memref<2048xi32, #tpu.memory_space<hbm>>
      tpu.wait_dma2 semaphore(%arg16 : memref<!tpu.dma_semaphore, #tpu.memory_space<semaphore_mem>>) src(%dma_wait3A_100 : memref<2048xi32, #tpu.memory_space<hbm>>) dst(%arg8 : memref<2048xi32, #tpu.memory_space<vmem>>)
      %ge3A_101 = arith.constant 4 : i32
      %ge3A_102 = arith.cmpi sge, %add3A_98, %ge3A_101 : i32
      %convert_element_type3A_103 = arith.extui %ge3A_102 : i1 to i32
      %cond3A_104 = arith.constant 0 : i32
      %cond3A_105 = arith.cmpi ne, %convert_element_type3A_103, %cond3A_104 : i32
      scf.if %cond3A_105 {
        %dma_wait3A_155 = tpu.memref_slice %arg4[%add3A_6] : memref<4194304xi32, #tpu.memory_space<hbm>> -> memref<2048xi32, #tpu.memory_space<hbm>>
        %dma_wait3A_156 = tpu.memref_slice %arg4[%add3A_6] : memref<4194304xi32, #tpu.memory_space<hbm>> -> memref<2048xi32, #tpu.memory_space<hbm>>
        tpu.wait_dma2 semaphore(%arg24 : memref<!tpu.dma_semaphore, #tpu.memory_space<semaphore_mem>>) src(%arg12 : memref<2048xi32, #tpu.memory_space<vmem>>) dst(%dma_wait3A_156 : memref<2048xi32, #tpu.memory_space<hbm>>)
      } else {
      }
      %dma_start3A_106 = arith.constant 0 : i32
      %dma_start3A_107 = tpu.memref_slice %arg3[%dma_start3A_106] : memref<2146689xi32, #tpu.memory_space<hbm>> -> memref<2146689xi32, #tpu.memory_space<hbm>>
      tpu.enqueue_indirect_dma source(%dma_start3A_107 : memref<2146689xi32, #tpu.memory_space<hbm>>) target(%arg12 : memref<2048xi32, #tpu.memory_space<vmem>>) offsets(%arg8 : memref<2048xi32, #tpu.memory_space<vmem>>) semaphore(%arg20 : memref<!tpu.dma_semaphore, #tpu.memory_space<semaphore_mem>>)
      %ge3A_108 = arith.constant 2 : i32
      %ge3A_109 = arith.cmpi sge, %add3A_98, %ge3A_108 : i32
      %convert_element_type3A_110 = arith.extui %ge3A_109 : i1 to i32
      %cond3A_111 = arith.constant 0 : i32
      %cond3A_112 = arith.cmpi ne, %convert_element_type3A_110, %cond3A_111 : i32
      scf.if %cond3A_112 {
        %dma_wait3A_155 = tpu.memref_slice %arg2[%mul3A_2] : memref<2621440xi32, #tpu.memory_space<hbm>> -> memref<2048xi32, #tpu.memory_space<hbm>>
        %dma_wait3A_156 = tpu.memref_slice %arg2[%mul3A_2] : memref<2621440xi32, #tpu.memory_space<hbm>> -> memref<2048xi32, #tpu.memory_space<hbm>>
        tpu.wait_dma2 semaphore(%arg18 : memref<!tpu.dma_semaphore, #tpu.memory_space<semaphore_mem>>) src(%dma_wait3A_156 : memref<2048xi32, #tpu.memory_space<hbm>>) dst(%arg10 : memref<2048xi32, #tpu.memory_space<vmem>>)
      } else {
      }
      %ge3A_113 = arith.constant 2 : i32
      %ge3A_114 = arith.cmpi sge, %add3A_98, %ge3A_113 : i32
      %convert_element_type3A_115 = arith.extui %ge3A_114 : i1 to i32
      %cond3A_116 = arith.constant 0 : i32
      %cond3A_117 = arith.cmpi ne, %convert_element_type3A_115, %cond3A_116 : i32
      scf.if %cond3A_117 {
        %sub3A = arith.constant 2 : i32
        %sub3A_155 = arith.subi %add3A_98, %sub3A : i32
        %mul3A_156 = arith.constant 2048 : i32
        %mul3A_157 = arith.muli %sub3A_155, %mul3A_156 : i32
        %add3A_158 = arith.addi %add3A_6, %mul3A_157 : i32
        %dma_start3A_159 = tpu.memref_slice %arg4[%add3A_158] : memref<4194304xi32, #tpu.memory_space<hbm>> -> memref<2048xi32, #tpu.memory_space<hbm>>
        %dma_start3A_160 = tpu.memref_slice %arg4[%add3A_158] : memref<4194304xi32, #tpu.memory_space<hbm>> -> memref<2048xi32, #tpu.memory_space<hbm>>
        tpu.enqueue_dma source(%arg10 : memref<2048xi32, #tpu.memory_space<vmem>>) target(%dma_start3A_160 : memref<2048xi32, #tpu.memory_space<hbm>>) target_semaphore(%arg22 : memref<!tpu.dma_semaphore, #tpu.memory_space<semaphore_mem>>)
      } else {
      }
      %add3A_118 = arith.constant 2 : i32
      %add3A_119 = arith.addi %add3A_98, %add3A_118 : i32
      %lt3A_120 = arith.constant 40 : i32
      %lt3A_121 = arith.cmpi slt, %add3A_119, %lt3A_120 : i32
      %convert_element_type3A_122 = arith.extui %lt3A_121 : i1 to i32
      %cond3A_123 = arith.constant 0 : i32
      %cond3A_124 = arith.cmpi ne, %convert_element_type3A_122, %cond3A_123 : i32
      scf.if %cond3A_124 {
        %add3A_155 = arith.constant 2 : i32
        %add3A_156 = arith.addi %add3A_98, %add3A_155 : i32
        %mul3A_157 = arith.constant 2048 : i32
        %mul3A_158 = arith.muli %add3A_156, %mul3A_157 : i32
        %add3A_159 = arith.addi %mul3A_2, %mul3A_158 : i32
        %dma_start3A_160 = tpu.memref_slice %arg2[%add3A_159] : memref<2621440xi32, #tpu.memory_space<hbm>> -> memref<2048xi32, #tpu.memory_space<hbm>>
        %dma_start3A_161 = tpu.memref_slice %arg2[%add3A_159] : memref<2621440xi32, #tpu.memory_space<hbm>> -> memref<2048xi32, #tpu.memory_space<hbm>>
        tpu.enqueue_dma source(%dma_start3A_161 : memref<2048xi32, #tpu.memory_space<hbm>>) target(%arg6 : memref<2048xi32, #tpu.memory_space<vmem>>) target_semaphore(%arg14 : memref<!tpu.dma_semaphore, #tpu.memory_space<semaphore_mem>>)
      } else {
      }
      %mul3A_125 = arith.constant 4 : i32
      %mul3A_126 = arith.muli %scan3A_38, %mul3A_125 : i32
      %add3A_127 = arith.constant 3 : i32
      %add3A_128 = arith.addi %mul3A_126, %add3A_127 : i32
      %dma_wait3A_129 = tpu.memref_slice %arg2[%mul3A_2] : memref<2621440xi32, #tpu.memory_space<hbm>> -> memref<2048xi32, #tpu.memory_space<hbm>>
      %dma_wait3A_130 = tpu.memref_slice %arg2[%mul3A_2] : memref<2621440xi32, #tpu.memory_space<hbm>> -> memref<2048xi32, #tpu.memory_space<hbm>>
      tpu.wait_dma2 semaphore(%arg17 : memref<!tpu.dma_semaphore, #tpu.memory_space<semaphore_mem>>) src(%dma_wait3A_130 : memref<2048xi32, #tpu.memory_space<hbm>>) dst(%arg9 : memref<2048xi32, #tpu.memory_space<vmem>>)
      %ge3A_131 = arith.constant 4 : i32
      %ge3A_132 = arith.cmpi sge, %add3A_128, %ge3A_131 : i32
      %convert_element_type3A_133 = arith.extui %ge3A_132 : i1 to i32
      %cond3A_134 = arith.constant 0 : i32
      %cond3A_135 = arith.cmpi ne, %convert_element_type3A_133, %cond3A_134 : i32
      scf.if %cond3A_135 {
        %dma_wait3A_155 = tpu.memref_slice %arg4[%add3A_6] : memref<4194304xi32, #tpu.memory_space<hbm>> -> memref<2048xi32, #tpu.memory_space<hbm>>
        %dma_wait3A_156 = tpu.memref_slice %arg4[%add3A_6] : memref<4194304xi32, #tpu.memory_space<hbm>> -> memref<2048xi32, #tpu.memory_space<hbm>>
        tpu.wait_dma2 semaphore(%arg25 : memref<!tpu.dma_semaphore, #tpu.memory_space<semaphore_mem>>) src(%arg13 : memref<2048xi32, #tpu.memory_space<vmem>>) dst(%dma_wait3A_156 : memref<2048xi32, #tpu.memory_space<hbm>>)
      } else {
      }
      %dma_start3A_136 = arith.constant 0 : i32
      %dma_start3A_137 = tpu.memref_slice %arg3[%dma_start3A_136] : memref<2146689xi32, #tpu.memory_space<hbm>> -> memref<2146689xi32, #tpu.memory_space<hbm>>
      tpu.enqueue_indirect_dma source(%dma_start3A_137 : memref<2146689xi32, #tpu.memory_space<hbm>>) target(%arg13 : memref<2048xi32, #tpu.memory_space<vmem>>) offsets(%arg9 : memref<2048xi32, #tpu.memory_space<vmem>>) semaphore(%arg21 : memref<!tpu.dma_semaphore, #tpu.memory_space<semaphore_mem>>)
      %ge3A_138 = arith.constant 2 : i32
      %ge3A_139 = arith.cmpi sge, %add3A_128, %ge3A_138 : i32
      %convert_element_type3A_140 = arith.extui %ge3A_139 : i1 to i32
      %cond3A_141 = arith.constant 0 : i32
      %cond3A_142 = arith.cmpi ne, %convert_element_type3A_140, %cond3A_141 : i32
      scf.if %cond3A_142 {
        %dma_wait3A_155 = tpu.memref_slice %arg2[%mul3A_2] : memref<2621440xi32, #tpu.memory_space<hbm>> -> memref<2048xi32, #tpu.memory_space<hbm>>
        %dma_wait3A_156 = tpu.memref_slice %arg2[%mul3A_2] : memref<2621440xi32, #tpu.memory_space<hbm>> -> memref<2048xi32, #tpu.memory_space<hbm>>
        tpu.wait_dma2 semaphore(%arg19 : memref<!tpu.dma_semaphore, #tpu.memory_space<semaphore_mem>>) src(%dma_wait3A_156 : memref<2048xi32, #tpu.memory_space<hbm>>) dst(%arg11 : memref<2048xi32, #tpu.memory_space<vmem>>)
      } else {
      }
      %ge3A_143 = arith.constant 2 : i32
      %ge3A_144 = arith.cmpi sge, %add3A_128, %ge3A_143 : i32
      %convert_element_type3A_145 = arith.extui %ge3A_144 : i1 to i32
      %cond3A_146 = arith.constant 0 : i32
      %cond3A_147 = arith.cmpi ne, %convert_element_type3A_145, %cond3A_146 : i32
      scf.if %cond3A_147 {
        %sub3A = arith.constant 2 : i32
        %sub3A_155 = arith.subi %add3A_128, %sub3A : i32
        %mul3A_156 = arith.constant 2048 : i32
        %mul3A_157 = arith.muli %sub3A_155, %mul3A_156 : i32
        %add3A_158 = arith.addi %add3A_6, %mul3A_157 : i32
        %dma_start3A_159 = tpu.memref_slice %arg4[%add3A_158] : memref<4194304xi32, #tpu.memory_space<hbm>> -> memref<2048xi32, #tpu.memory_space<hbm>>
        %dma_start3A_160 = tpu.memref_slice %arg4[%add3A_158] : memref<4194304xi32, #tpu.memory_space<hbm>> -> memref<2048xi32, #tpu.memory_space<hbm>>
        tpu.enqueue_dma source(%arg11 : memref<2048xi32, #tpu.memory_space<vmem>>) target(%dma_start3A_160 : memref<2048xi32, #tpu.memory_space<hbm>>) target_semaphore(%arg23 : memref<!tpu.dma_semaphore, #tpu.memory_space<semaphore_mem>>)
      } else {
      }
      %add3A_148 = arith.constant 2 : i32
      %add3A_149 = arith.addi %add3A_128, %add3A_148 : i32
      %lt3A_150 = arith.constant 40 : i32
      %lt3A_151 = arith.cmpi slt, %add3A_149, %lt3A_150 : i32
      %convert_element_type3A_152 = arith.extui %lt3A_151 : i1 to i32
      %cond3A_153 = arith.constant 0 : i32
      %cond3A_154 = arith.cmpi ne, %convert_element_type3A_152, %cond3A_153 : i32
      scf.if %cond3A_154 {
        %add3A_155 = arith.constant 2 : i32
        %add3A_156 = arith.addi %add3A_128, %add3A_155 : i32
        %mul3A_157 = arith.constant 2048 : i32
        %mul3A_158 = arith.muli %add3A_156, %mul3A_157 : i32
        %add3A_159 = arith.addi %mul3A_2, %mul3A_158 : i32
        %dma_start3A_160 = tpu.memref_slice %arg2[%add3A_159] : memref<2621440xi32, #tpu.memory_space<hbm>> -> memref<2048xi32, #tpu.memory_space<hbm>>
        %dma_start3A_161 = tpu.memref_slice %arg2[%add3A_159] : memref<2621440xi32, #tpu.memory_space<hbm>> -> memref<2048xi32, #tpu.memory_space<hbm>>
        tpu.enqueue_dma source(%dma_start3A_161 : memref<2048xi32, #tpu.memory_space<hbm>>) target(%arg7 : memref<2048xi32, #tpu.memory_space<vmem>>) target_semaphore(%arg15 : memref<!tpu.dma_semaphore, #tpu.memory_space<semaphore_mem>>)
      } else {
      }
    }
    %scan3A_18 = arith.constant 10 : i32
    %dma_wait3A = tpu.memref_slice %arg2[%mul3A_2] : memref<2621440xi32, #tpu.memory_space<hbm>> -> memref<2048xi32, #tpu.memory_space<hbm>>
    %dma_wait3A_19 = tpu.memref_slice %arg2[%mul3A_2] : memref<2621440xi32, #tpu.memory_space<hbm>> -> memref<2048xi32, #tpu.memory_space<hbm>>
    tpu.wait_dma2 semaphore(%arg20 : memref<!tpu.dma_semaphore, #tpu.memory_space<semaphore_mem>>) src(%dma_wait3A_19 : memref<2048xi32, #tpu.memory_space<hbm>>) dst(%arg12 : memref<2048xi32, #tpu.memory_space<vmem>>)
    %add3A_20 = arith.constant 77824 : i32
    %add3A_21 = arith.addi %add3A_6, %add3A_20 : i32
    %dma_start3A_22 = tpu.memref_slice %arg4[%add3A_21] : memref<4194304xi32, #tpu.memory_space<hbm>> -> memref<2048xi32, #tpu.memory_space<hbm>>
    %dma_start3A_23 = tpu.memref_slice %arg4[%add3A_21] : memref<4194304xi32, #tpu.memory_space<hbm>> -> memref<2048xi32, #tpu.memory_space<hbm>>
    tpu.enqueue_dma source(%arg12 : memref<2048xi32, #tpu.memory_space<vmem>>) target(%dma_start3A_23 : memref<2048xi32, #tpu.memory_space<hbm>>) target_semaphore(%arg24 : memref<!tpu.dma_semaphore, #tpu.memory_space<semaphore_mem>>)
    %dma_wait3A_24 = tpu.memref_slice %arg2[%mul3A_2] : memref<2621440xi32, #tpu.memory_space<hbm>> -> memref<2048xi32, #tpu.memory_space<hbm>>
    %dma_wait3A_25 = tpu.memref_slice %arg2[%mul3A_2] : memref<2621440xi32, #tpu.memory_space<hbm>> -> memref<2048xi32, #tpu.memory_space<hbm>>
    tpu.wait_dma2 semaphore(%arg21 : memref<!tpu.dma_semaphore, #tpu.memory_space<semaphore_mem>>) src(%dma_wait3A_25 : memref<2048xi32, #tpu.memory_space<hbm>>) dst(%arg13 : memref<2048xi32, #tpu.memory_space<vmem>>)
    %add3A_26 = arith.constant 79872 : i32
    %add3A_27 = arith.addi %add3A_6, %add3A_26 : i32
    %dma_start3A_28 = tpu.memref_slice %arg4[%add3A_27] : memref<4194304xi32, #tpu.memory_space<hbm>> -> memref<2048xi32, #tpu.memory_space<hbm>>
    %dma_start3A_29 = tpu.memref_slice %arg4[%add3A_27] : memref<4194304xi32, #tpu.memory_space<hbm>> -> memref<2048xi32, #tpu.memory_space<hbm>>
    tpu.enqueue_dma source(%arg13 : memref<2048xi32, #tpu.memory_space<vmem>>) target(%dma_start3A_29 : memref<2048xi32, #tpu.memory_space<hbm>>) target_semaphore(%arg25 : memref<!tpu.dma_semaphore, #tpu.memory_space<semaphore_mem>>)
    %dma_wait3A_30 = tpu.memref_slice %arg4[%add3A_6] : memref<4194304xi32, #tpu.memory_space<hbm>> -> memref<2048xi32, #tpu.memory_space<hbm>>
    %dma_wait3A_31 = tpu.memref_slice %arg4[%add3A_6] : memref<4194304xi32, #tpu.memory_space<hbm>> -> memref<2048xi32, #tpu.memory_space<hbm>>
    tpu.wait_dma2 semaphore(%arg22 : memref<!tpu.dma_semaphore, #tpu.memory_space<semaphore_mem>>) src(%arg10 : memref<2048xi32, #tpu.memory_space<vmem>>) dst(%dma_wait3A_31 : memref<2048xi32, #tpu.memory_space<hbm>>)
    %dma_wait3A_32 = tpu.memref_slice %arg4[%add3A_6] : memref<4194304xi32, #tpu.memory_space<hbm>> -> memref<2048xi32, #tpu.memory_space<hbm>>
    %dma_wait3A_33 = tpu.memref_slice %arg4[%add3A_6] : memref<4194304xi32, #tpu.memory_space<hbm>> -> memref<2048xi32, #tpu.memory_space<hbm>>
    tpu.wait_dma2 semaphore(%arg23 : memref<!tpu.dma_semaphore, #tpu.memory_space<semaphore_mem>>) src(%arg11 : memref<2048xi32, #tpu.memory_space<vmem>>) dst(%dma_wait3A_33 : memref<2048xi32, #tpu.memory_space<hbm>>)
    %dma_wait3A_34 = tpu.memref_slice %arg4[%add3A_6] : memref<4194304xi32, #tpu.memory_space<hbm>> -> memref<2048xi32, #tpu.memory_space<hbm>>
    %dma_wait3A_35 = tpu.memref_slice %arg4[%add3A_6] : memref<4194304xi32, #tpu.memory_space<hbm>> -> memref<2048xi32, #tpu.memory_space<hbm>>
    tpu.wait_dma2 semaphore(%arg24 : memref<!tpu.dma_semaphore, #tpu.memory_space<semaphore_mem>>) src(%arg12 : memref<2048xi32, #tpu.memory_space<vmem>>) dst(%dma_wait3A_35 : memref<2048xi32, #tpu.memory_space<hbm>>)
    %dma_wait3A_36 = tpu.memref_slice %arg4[%add3A_6] : memref<4194304xi32, #tpu.memory_space<hbm>> -> memref<2048xi32, #tpu.memory_space<hbm>>
    %dma_wait3A_37 = tpu.memref_slice %arg4[%add3A_6] : memref<4194304xi32, #tpu.memory_space<hbm>> -> memref<2048xi32, #tpu.memory_space<hbm>>
    tpu.wait_dma2 semaphore(%arg25 : memref<!tpu.dma_semaphore, #tpu.memory_space<semaphore_mem>>) src(%arg13 : memref<2048xi32, #tpu.memory_space<vmem>>) dst(%dma_wait3A_37 : memref<2048xi32, #tpu.memory_space<hbm>>)
    return
  }
}

</mosaic_0001>

<sc_bundles>
// kernel: kernel.4.cloned.1.call-start
scs
__scs_entry_jumppad:
0x0: {  	(pc) =	sbr.rel $0x88, $3  }
0x1: {  	(tag) =	ssettag $0x0;
	lr =	simm.s32 $0x1  }
0x2: {  	[smem:$0x3F9F] =	sst lr;
	_ =	strace $0xD0000000  }
0x3: {  	_ = 	snop  }
0x4: {  	_ = 	snop  }
0x5: {  	_ = 	snop  }
0x6: {  	_ = 	snop  }
0x7: {  	_ = 	snop  }
__scs_overlays_trampoline_lowered:
0x8: {  	[smem:$0x3FAE] =	sst s0  }
0x9: {  	[smem:$0x3FAF] =	sst s1  }
0xa: {  	[smem:$0x3FB0] =	sst s2  }
0xb: {  	[smem:$0x3FB1] =	sst s3  }
0xc: {  	[smem:$0x3FB2] =	sst s4  }
0xd: {  	[smem:$0x3FB3] =	sst s5  }
0xe: {  	[smem:$0x3FB4] =	sst s6  }
0xf: {  	[smem:$0x3FB5] =	sst s7  }
0x10: {  	[smem:$0x3FB6] =	sst s8  }
0x11: {  	[smem:$0x3FB7] =	sst s9;
	s0 =	simm.s32 @!p0 $0x0  }
0x12: {  	s1 =	sld [smem:$0x3F9D];
	s0 =	simm.s32 @p0 $0x1  }
0x13: {  	[smem:$0x3FB8] =	sst s0;
	s0 =	simm.s32 @!p1 $0x0  }
0x14: {  	s2 =	sld [smem:$0x3F9C];
	s0 =	simm.s32 @p1 $0x1  }
0x15: {  	[smem:$0x3FB9] =	sst s0;
	s0 =	simm.s32 @!p2 $0x0  }
0x16: {  	s3 =	sld [smem:$0x3FDB];
	s0 =	simm.s32 @p2 $0x1  }
0x17: {  	s4 =	simm.s32 $0x1BF5;
	[smem:$0x3FBB] =	sst s0  }
0x18: {  	s0 =	sld [smem:$0x3F9E];
	_ =	swait.ge [sflag:s4], $0x0  }
0x19: {  	s7 =	sld [smem:$0x3F9F]  }
0x1a: {  	s8 =	sadd.s32 $0xFFFFE003, lr  }
0x1b: {  	s9 =	sadd.s32 $0xFFFFFEF7, lr;
	s5 =	simm.s32 $0xFFFFFFFF;
	p2 =	slt.u32 s8, $0xFFFFF086  }
0x1c: {  	p1 =	slt.u32 s9, $0xF7A;
	s5 =	simm.s32 @!p2 $0x0  }
0x1d: {  	s5 =	simm.s32 @p1 $0x1;
	p0 =	seq.s32 s7, s2  }
0x1e: {  	s7 =	smul.u32 @!p0 $0xF7A, s2;
	p2 =	seq.s32 @!p0 s5, $0x0  }
0x1f: {  	s9 =	smul.u32 $0xF7A, s1;
	s8 =	simm.s32 @!p0 $0x1BF5;
	p2 =	por !p2, p0  }
0x20: {  	[sflag:s8] =	ssyncset.s32 @!p0 $0xFFFFF086;
	s6 =	sadd.s32 @!p0 s3, s7;
	s7 =	simm.s32 @!p0 $0x108  }
0x21: {  	s3 =	sadd.s32 s3, s9;
	s6 =	sadd.s32 @!p0 $0x88, s6;
	s7 =	simm.s32 @p2 $0x1082  }
0x22: {  	[simem:s7], [sflag:s8] =	dma.local @!p0 [hbm:s6], $0xF7A  }
0x23: {  	s9 =	sor.u32 $0xD0000000, s2;
	s6 =	simm.s32 $0x108;
	_ =	swait.ge @!p0 [sflag:s8], $0x0  }
0x24: {  	s3 =	sadd.s32 $0x88, s3;
	s6 =	simm.s32 @!p1 $0x1082;
	[sflag:s4] =	ssyncset.s32 $0xFFFFF086  }
0x25: {  	[simem:s6], [sflag:s4] =	dma.local [hbm:s3], $0xF7A  }
0x26: {  	[smem:$0x3F9F] =	sst s1;
	(tag) =	ssettag s2;
	_ =	strace s9  }
0x27: {  	s1 =	sld [smem:$0x3FAF]  }
0x28: {  	s2 =	sld [smem:$0x3FB0]  }
0x29: {  	s4 =	sld [smem:$0x3FB2]  }
0x2a: {  	p0 =	seq.s32 s5, $0x0;
	s5 =	sld [smem:$0x3FB3]  }
0x2b: {  	s6 =	sld [smem:$0x3FB4]  }
0x2c: {  	s7 =	sld [smem:$0x3FB5]  }
0x2d: {  	s3 =	simm.s32 $0x108;
	s8 =	sld [smem:$0x3FB6]  }
0x2e: {  	s3 =	simm.s32 @!p0 $0x1082;
	s9 =	sld [smem:$0x3FB7]  }
0x2f: {  	lr =	sadd.s32 s0, s3;
	s0 =	sld [smem:$0x3FAE]  }
0x30: {  	s3 =	sld [smem:$0x3FB1]  }
0x31: {  	[smem:$0x3FBA] =	sst s10  }
0x32: {  	s10 =	sld [smem:$0x3FB8];
	_ =	sdelay $0x3  }
0x33: {  	p0 =	seq.s32 s10, $0x1;
	s10 =	sld [smem:$0x3FBA];
	_ =	sdelay $0x3  }
0x34: {  	[smem:$0x3FBA] =	sst s10  }
0x35: {  	s10 =	sld [smem:$0x3FB9];
	_ =	sdelay $0x3  }
0x36: {  	p1 =	seq.s32 s10, $0x1;
	s10 =	sld [smem:$0x3FBA];
	_ =	sdelay $0x3  }
0x37: {  	[smem:$0x3FBA] =	sst s10  }
0x38: {  	s10 =	sld [smem:$0x3FBB]  }
0x39: {  	_ = 	snop;
	(pc) =	sbr.ind lr, $3  }
0x3a: {  	_ = 	snop  }
0x3b: {  	_ = 	snop  }
0x3c: {  	p2 =	seq.s32 s10, $0x1;
	s10 =	sld [smem:$0x3FBA]  }
0x3d: {  	_ =	shalt  }
0x3e: {  	_ =	shalt  }
0x3f: {  	_ =	shalt  }
0x40: {  	_ =	shalt  }
0x41: {  	_ =	shalt  }
0x42: {  	_ =	shalt  }
0x43: {  	_ =	shalt  }
0x44: {  	_ =	shalt  }
0x45: {  	_ =	shalt  }
0x46: {  	_ =	shalt  }
0x47: {  	_ =	shalt  }
0x48: {  	_ =	shalt  }
0x49: {  	_ =	shalt  }
0x4a: {  	_ =	shalt  }
0x4b: {  	_ =	shalt  }
0x4c: {  	_ =	shalt  }
0x4d: {  	_ =	shalt  }
0x4e: {  	_ =	shalt  }
0x4f: {  	_ =	shalt  }
0x50: {  	_ =	shalt  }
0x51: {  	_ =	shalt  }
0x52: {  	_ =	shalt  }
0x53: {  	_ =	shalt  }
0x54: {  	_ =	shalt  }
0x55: {  	_ =	shalt  }
0x56: {  	_ =	shalt  }
0x57: {  	_ =	shalt  }
0x58: {  	_ =	shalt  }
0x59: {  	_ =	shalt  }
0x5a: {  	_ =	shalt  }
0x5b: {  	_ =	shalt  }
0x5c: {  	_ =	shalt  }
0x5d: {  	_ =	shalt  }
0x5e: {  	_ =	shalt  }
0x5f: {  	_ =	shalt  }
0x60: {  	_ =	shalt  }
0x61: {  	_ =	shalt  }
0x62: {  	_ =	shalt  }
0x63: {  	_ =	shalt  }
0x64: {  	_ =	shalt  }
0x65: {  	_ =	shalt  }
0x66: {  	_ =	shalt  }
0x67: {  	_ =	shalt  }
0x68: {  	_ =	shalt  }
0x69: {  	_ =	shalt  }
0x6a: {  	_ =	shalt  }
0x6b: {  	_ =	shalt  }
0x6c: {  	_ =	shalt  }
0x6d: {  	_ =	shalt  }
0x6e: {  	_ =	shalt  }
0x6f: {  	_ =	shalt  }
0x70: {  	_ =	shalt  }
0x71: {  	_ =	shalt  }
0x72: {  	_ =	shalt  }
0x73: {  	_ =	shalt  }
0x74: {  	_ =	shalt  }
0x75: {  	_ =	shalt  }
0x76: {  	_ =	shalt  }
0x77: {  	_ =	shalt  }
0x78: {  	_ =	shalt  }
0x79: {  	_ =	shalt  }
0x7a: {  	_ =	shalt  }
0x7b: {  	_ =	shalt  }
0x7c: {  	_ =	shalt  }
0x7d: {  	_ =	shalt  }
0x7e: {  	_ =	shalt  }
0x7f: {  	_ =	shalt  }
0x80: {  	_ =	shalt  }
0x81: {  	_ =	shalt  }
0x82: {  	_ =	shalt  }
0x83: {  	_ =	shalt  }
0x84: {  	_ =	shalt  }
0x85: {  	_ =	shalt  }
0x86: {  	_ =	shalt  }
0x87: {  	_ =	shalt  }
.Lfunc_end0:
.L_simem_size_0:
called_computation_lowered:
.L_overlay_start_0:
0x88: {  	s2 =	sld [smem:$0x3FD9]  }
0x89: {  	s3 =	sld [smem:$0x3FFE];
	_ =	sdelay $0x1  }
0x8a: {  	s1 =	srdreg.scid  }
0x8b: {  	s0 =	sand.u32 $0x1, s1  }
0x8c: {  	s17 =	sshll.u32 s0, $0xA;
	s2 =	sadd.s32 s3, s2  }
0x8d: {  	s2 =	sadd.s32 s2, s17  }
0x8e: {  	[smem:$0x3FC6] =	sst s2  }
0x8f: {  	_ = 	snop  }
0x90: {  	s2 =	sld [smem:$0x3FD0];
	(tm) =	ssettm $0x1  }
0x91: {  	s18 =	sld [smem:$0x3FFB];
	_ =	sdelay $0x3  }
0x92: {  	_ =	strace s18  }
0x93: {  	s3 =	sld [smem:$0x3FFC];
	_ =	sdelay $0x3  }
0x94: {  	_ =	strace s3  }
0x95: {  	s3 =	sld [smem:$0x3FFD];
	_ =	sdelay $0x3  }
0x96: {  	_ =	strace s3  }
0x97: {  	_ =	strace $0x8FFFFFFF  }
0x98: {  	s19 =	sld [smem:$0x3FDB];
	_ =	sdelay $0x1  }
0x99: {  	s4 =	simm.s32 $_scs_section_size  }
0x9a: {  	s5 =	simm.s32 $_size__tile_overlayer_lowered;
	s6 =	simm.s32 $_tile_overlayer_lowered  }
0x9b: {  	s22 =	simm.s32 $0x1BFF;
	s21 =	sshll.u32 s6, $0x1;
	s3 =	sadd.s32 s4, s19  }
0x9c: {  	s7 =	simm.s32 $0x0;
	s20 =	sshll.u32 s5, $0x1;
	s5 =	sadd.s32 s21, s3  }
0x9d: {  	[timem:s7], [sflag:s22] =	dma.local [hbm:s5], s20  }
0x9e: {  	_ =	swait.ge [sflag:s22], s20  }
0x9f: {  	s4 =	ssub.s32 $0x0, s20;
	[sflag:s22] =	ssyncset.done $0x0  }
0xa0: {  	[sflag:s22] =	ssyncadd.s32 s4;
	_ =	sdelay $0x1  }
0xa1: {  	s23 =	simm.s32 $0x1B8B  }
0xa2: {  	_ =	swait.ge [sflag:s23], $0x1  }
0xa3: {  	[sflag:s23] =	ssyncset.done $0x0  }
0xa4: {  	s25 =	simm.s32 $0x1B8E;
	s24 =	sld [smem:$0x3FFE];
	[sflag:s23] =	ssyncadd.s32 $0xFFFFFFFF  }
0xa5: {  	s26 =	simm.s32 $execute0_lowered;
	[smem:$0x3FD2] =	sst s25  }
0xa6: {  	s5 =	sshll.u32 s26, $0x1;
	_ =	strace $0x80000046;
	[dreg:$0x1] =	wrdreg $0xFFFFFFFF  }
0xa7: {  	s28 =	simm.s32 $_size_execute0_lowered;
	s3 =	sadd.s32 s3, s5;
	[dreg:$0x0] =	wrdreg $0x0  }
0xa8: {  	s5 =	sshll.u32 s28, $0x1;
	[dreg:$0x2] =	wrdreg s3  }
0xa9: {  	[dreg:$0x3] =	wrdreg s5  }
0xaa: {  	[dreg:$0x4] =	wrdreg $0xC0  }
0xab: {  	_ =	task [dreg:s7], $0x5FFFF  }
0xac: {  	[dreg:$0x1] =	wrdreg $0xFFFFFFFF  }
0xad: {  	[dreg:$0x0] =	wrdreg $0x60  }
0xae: {  	[dreg:$0x2] =	wrdreg s24  }
0xaf: {  	[dreg:$0x3] =	wrdreg s2  }
0xb0: {  	[dreg:$0x4] =	wrdreg $0x9  }
0xb1: {  	_ =	task.clear_ibuf [dreg:s7], $0x5FFFF;
	_ =	strace $0x90000046  }
0xb2: {  	s29 =	simm.s32 $0x9;
	_ =	strace $0x80000048  }
0xb3: {  	_ =	swait.ge [sflag:s29], $0x1  }
0xb4: {  	[sflag:s29] =	ssyncadd.s32 $0xFFFFFFFF  }
0xb5: {  	_ =	strace $0x90000048  }
0xb6: {  	_ =	sfence  }
0xb7: {  	s30 =	sld [smem:$0x0];
	_ =	sdelay $0x2  }
0xb8: {  	s31 =	sshll.u32 s1, $0xD;
	s1 =	sshrl.u32 s1, $0x2  }
0xb9: {  	s3 =	sand.u32 $0x4000, s31;
	s1 =	sadd.s32 s1, s30  }
0xba: {  	s0 =	sor.u32 s3, s0;
	s1 =	sshll.u32 s1, $0x11  }
0xbb: {  	s0 =	sor.u32 s1, s0  }
0xbc: {  	s0 =	sadd.s32 $0x8F2B, s0  }
0xbd: {  	[sflag:s0] =	ssyncadd.remote.s32 $0x1  }
0xbe: {  	_ =	sfence.sel $0xFFFF  }
0xbf: {  	[dreg:$0x0] =	wrdreg $0xFFFFFFFF;
	(pc) =	sbr.abs _section_cstart, $3  }
0xc0: {  	[dreg:$0x1] =	wrdreg $0xFFFFFFFF  }
0xc1: {  	_ =	task.clear_ibuf [dreg:s7], $0x2FFFF;
	_ =	strace $0x9FFFFFFF  }
0xc2: {  	(tm) =	ssettm $0x7FFFFFFF  }
0xc3: {  	_ =	shalt  }
tec
execute0_lowered:
.L_overlay_start_1:
0x0: {  	(tag) =	ssettag $0x1  }
0x1: {  	s0 =	rddreg [dreg:$0x0]  }
0x2: {  	s1 =	srdreg.scid;
	s7 =	stileid.u32  }
0x3: {  	s2 =	rddreg [dreg:$0x1];
	s3 =	simm.s32 $0x0;
	s28 =	simm.s32 $0xC  }
0x4: {  	s29 =	simm.s32 $0x3800;
	s30 =	simm.s32 $0x6;
	s31 =	simm.s32 $0x2800  }
0x5: {  	s1 =	sand.u32 $0x1, s1;
	s4 =	sshll.u32 s7, $0x1;
	s7 =	smul.u32 $0x18000, s7  }
0x6: {  	s4 =	sor.u32 s1, s4;
	s6 =	ssub.s32 $0x2, s1;
	s1 =	smul.u32 $0xC000, s1  }
0x7: {  	[smem:$0x7FF] =	sst s3;
	s8 =	sadd.s32 $0x42200, s0;
	s5 =	smul.u32 $0xC000, s4  }
0x8: {  	_ =	strace $0x80000047;
	s9 =	sshrl.u32 s6, $0x1;
	s4 =	sadd.s32 $0x800, s0  }
0x9: {  	s14 =	ssub.s32 s6, s9;
	s1 =	sadd.s32 s1, s7;
	s5 =	sshrl.u32 s5, $0x3  }
0xa: {  	s17 =	sor.u32 $0x2800, s1;
	s19 =	sor.u32 $0x800, s1;
	s0 =	smax.u32 s14, $0x1  }
0xb: {  	s21 =	sor.u32 $0x2000, s1;
	s22 =	sor.u32 $0x1800, s1;
	s23 =	sor.u32 $0x1000, s1  }
0xc: {  	s25 =	sadd.s32 $0xFFFFF800, s1;
	s26 =	sshrl.u32 s1, $0x3;
	s15 =	sadd.s32 s8, s5  }
0xd: {  	s5 =	sadd.s32 s2, s5;
	s18 =	sshrl.u32 s17, $0x3;
	[dreg:$0x7] =	wrdreg s0  }
0xe: {  	s20 =	sshrl.u32 s19, $0x3;
	s0 =	sshrl.u32 s21, $0x3;
	s24 =	sshrl.u32 s23, $0x3  }
0xf: {  	[dreg:$0x8] =	wrdreg s25;
	s17 =	simm.s32 $0x800;
	s19 =	simm.s32 $0x1000  }
0x10: {  	s21 =	simm.s32 $0x1800;
	s23 =	simm.s32 $0x3000;
	s25 =	simm.s32 $0x2000  }
0x11: {  	[dreg:$0x3] =	wrdreg s15;
	s6 =	sadd.s32 $0x100, s15;
	s16 =	sadd.s32 $0x1600, s5  }
0x12: {  	s5 =	sadd.s32 $0x1700, s5;
	s10 =	sadd.s32 s18, s8;
	s11 =	sadd.s32 s20, s2  }
.Ltmp0:
0x13: {  	s12 =	sadd.s32 s0, s8;
	[dreg:$0x4] =	wrdreg s6;
	(pc) =	sbr.rel .LBB2_1-.Ltmp0, $4  }
0x14: {  	s15 =	sadd.s32 s24, s8;
	s18 =	simm.s32 $0x1;
	[dreg:$0x5] =	wrdreg s16  }
0x15: {  	s20 =	simm.s32 $0x2;
	s24 =	simm.s32 $0x5;
	[dreg:$0x6] =	wrdreg s5  }
0x16: {  	s5 =	sshrl.u32 s22, $0x3;
	s16 =	sadd.s32 s26, s2;
	s22 =	simm.s32 $0x3  }
0x17: {  	s26 =	simm.s32 $0x4;
	s13 =	sadd.s32 s5, s8;
	s8 =	simm.s32 $0x0  }
.LBB2_8:
0x18: {  	s0 =	simm.s32 $0x7  }
0x19: {  	_ =	swait.ge [sflag:s0], $0x800  }
0x1a: {  	[sflag:s0] =	ssyncset.done $0x0  }
0x1b: {  	s1 =	simm.s32 $0x8;
	s14 =	rddreg [dreg:$0x5];
	[sflag:s0] =	ssyncadd.s32 $0xFFFFF800  }
0x1c: {  	[hbm4b:s14+s3] =	stream.linear.scatter [tilespmem:s23], [sflag:$0xB], $0x800, $0x38;
	[tilespmem:$0x4000] =	vst v63  }
0x1d: {  	_ =	swait.ge [sflag:s1], $0x800  }
0x1e: {  	[sflag:s1] =	ssyncset.done $0x0  }
0x1f: {  	s6 =	simm.s32 $0x9;
	s5 =	rddreg [dreg:$0x6];
	[sflag:s1] =	ssyncadd.s32 $0xFFFFF800  }
0x20: {  	[hbm4b:s5+s3] =	stream.linear.scatter [tilespmem:s29], [sflag:$0xC], $0x800, $0x38;
	[tilespmem:$0x4000] =	vst v63  }
0x21: {  	_ =	swait.ge [sflag:s6], $0x800  }
0x22: {  	[sflag:s6] =	ssyncset.done $0x0  }
0x23: {  	s7 =	simm.s32 $0xA;
	[sflag:s6] =	ssyncadd.s32 $0xFFFFF800  }
0x24: {  	_ =	swait.ge [sflag:s7], $0x800  }
0x25: {  	[sflag:s7] =	ssyncset.done $0x0  }
0x26: {  	s9 =	simm.s32 $0xB;
	[sflag:s7] =	ssyncadd.s32 $0xFFFFF800  }
0x27: {  	_ =	swait.ge [sflag:s9], $0x800  }
0x28: {  	[sflag:s9] =	ssyncset.done $0x0  }
0x29: {  	[sflag:s9] =	ssyncadd.s32 $0xFFFFF800  }
0x2a: {  	_ =	swait.ge [sflag:s28], $0x800  }
0x2b: {  	s8 =	sadd.s32 $0x1, s8;
	s14 =	rddreg [dreg:$0x7]  }
0x2c: {  	p0 =	sne.s32 s8, s14  }
.Ltmp1:
0x2d: {  	_ = 	snop;
	(pc) =	sbr.rel @!p0 .LBB2_9-.Ltmp1, $3  }
0x2e: {  	_ =	sdelay $0x1  }
0x2f: {  	[sflag:s28] =	ssyncset.done $0x0  }
0x30: {  	[sflag:s28] =	ssyncadd.s32 $0xFFFFF800  }
.LBB2_1:
0x31: {  	s0 =	rddreg [dreg:$0x3]  }
0x32: {  	[tilespmem:s3], [sflag:$0x1] =	stream.linear.gather [hbm4b:s0+s3], $0x800, $0x38;
	[tilespmem:$0x4000] =	vst v63  }
0x33: {  	s14 =	rddreg [dreg:$0x4]  }
0x34: {  	[tilespmem:s17], [sflag:$0x2] =	stream.linear.gather [hbm4b:s14+s3], $0x800, $0x38;
	[tilespmem:$0x4000] =	vst v63  }
0x35: {  	s9 =	simm.s32 $0x0;
	s14 =	rddreg [dreg:$0x8]  }
.LBB2_2:
0x36: {  	_ =	swait.ge [sflag:s18], $0x800  }
0x37: {  	p0 =	sne.s32 s9, $0x0;
	[sflag:s18] =	ssyncset.done $0x0  }
0x38: {  	s1 =	simm.s32 @p0 $0x9;
	[sflag:s18] =	ssyncadd.s32 $0xFFFFF800  }
0x39: {  	_ =	swait.ge @p0 [sflag:s1], $0x800  }
0x3a: {  	s0 =	simm.s32 @p0 $0x0;
	[sflag:s1] =	ssyncset.done @p0 $0x0  }
0x3b: {  	s6 =	simm.s32 @p0 $0x2000;
	[sflag:s1] =	ssyncadd.s32 @p0 $0xFFFFF800;
	s1 =	simm.s32 @p0 $0x800  }
0x3c: {  	[tilespmem:s6], [sflag:$0x5] =	stream.indirect.gather @p0 [hbm4b:s4+s1], $0x1, s0, s1, $0xb8;
	[tilespmem:$0x4000] =	vst v63  }
0x3d: {  	s6 =	simm.s32 @p0 $0x7  }
0x3e: {  	s7 =	sadd.s32 @p0 $0xFFFFF800, s14;
	_ =	swait.ge @p0 [sflag:s6], $0x800  }
0x3f: {  	s7 =	sshrl.u32 @p0 s7, $0x3;
	[sflag:s6] =	ssyncset.done @p0 $0x0  }
0x40: {  	[sflag:s6] =	ssyncadd.s32 @p0 $0xFFFFF800;
	s6 =	sadd.s32 @p0 s2, s7;
	s7 =	simm.s32 @p0 $0x3000  }
0x41: {  	[hbm4b:s6+s0] =	stream.linear.scatter @p0 [tilespmem:s7], [sflag:$0xB], $0x800, $0x38;
	[tilespmem:$0x4000] =	vst v63  }
0x42: {  	s5 =	simm.s32 @!p0 $0x2000;
	s6 =	simm.s32 @!p0 $0x800;
	s7 =	simm.s32 @!p0 $0x0  }
0x43: {  	[tilespmem:s5], [sflag:$0x5] =	stream.indirect.gather @!p0 [hbm4b:s4+s6], $0x1, s7, s6, $0xb8;
	[tilespmem:$0x4000] =	vst v63  }
0x44: {  	s7 =	sadd.s32 s9, s15  }
0x45: {  	[tilespmem:s19], [sflag:$0x3] =	stream.linear.gather [hbm4b:s7+s3], $0x800, $0x38;
	[tilespmem:$0x4000] =	vst v63  }
0x46: {  	_ =	swait.ge [sflag:s20], $0x800  }
0x47: {  	[sflag:s20] =	ssyncset.done $0x0  }
0x48: {  	s5 =	simm.s32 @p0 $0xA;
	[sflag:s20] =	ssyncadd.s32 $0xFFFFF800  }
0x49: {  	_ =	swait.ge @p0 [sflag:s5], $0x800  }
0x4a: {  	[sflag:s5] =	ssyncset.done @p0 $0x0  }
0x4b: {  	[sflag:s5] =	ssyncadd.s32 @p0 $0xFFFFF800;
	s5 =	simm.s32 @p0 $0x2800  }
0x4c: {  	[tilespmem:s5], [sflag:$0x6] =	stream.indirect.gather @p0 [hbm4b:s4+s1], $0x1, s1, s1, $0xb8;
	[tilespmem:$0x4000] =	vst v63  }
0x4d: {  	s1 =	simm.s32 @p0 $0x8  }
0x4e: {  	_ =	swait.ge @p0 [sflag:s1], $0x800  }
0x4f: {  	s5 =	sshrl.u32 @p0 s14, $0x3;
	[sflag:s1] =	ssyncset.done @p0 $0x0  }
0x50: {  	[sflag:s1] =	ssyncadd.s32 @p0 $0xFFFFF800;
	s1 =	sadd.s32 @p0 s2, s5;
	s5 =	simm.s32 @p0 $0x3800  }
0x51: {  	[hbm4b:s1+s0] =	stream.linear.scatter @p0 [tilespmem:s5], [sflag:$0xC], $0x800, $0x38;
	[tilespmem:$0x4000] =	vst v63  }
0x52: {  	s0 =	simm.s32 @!p0 $0x2800  }
0x53: {  	[tilespmem:s0], [sflag:$0x6] =	stream.indirect.gather @!p0 [hbm4b:s4+s6], $0x1, s6, s6, $0xb8;
	[tilespmem:$0x4000] =	vst v63  }
0x54: {  	s6 =	sadd.s32 s9, s13  }
0x55: {  	[tilespmem:s21], [sflag:$0x4] =	stream.linear.gather [hbm4b:s6+s3], $0x800, $0x38;
	[tilespmem:$0x4000] =	vst v63  }
0x56: {  	_ =	swait.ge [sflag:s22], $0x800  }
0x57: {  	p0 =	seq.s32 s9, $0x0;
	[sflag:s22] =	ssyncset.done $0x0  }
0x58: {  	s0 =	simm.s32 @!p0 $0xB;
	[sflag:s22] =	ssyncadd.s32 $0xFFFFF800  }
0x59: {  	_ =	swait.ge @!p0 [sflag:s0], $0x800  }
0x5a: {  	[sflag:s0] =	ssyncset.done @!p0 $0x0  }
0x5b: {  	p1 =	sne.s32 s9, $0x1400;
	[sflag:s0] =	ssyncadd.s32 @!p0 $0xFFFFF800  }
0x5c: {  	[tilespmem:s23], [sflag:$0x7] =	stream.indirect.gather [hbm4b:s4+s17], $0x1, s19, s17, $0xb8;
	[tilespmem:$0x4000] =	vst v63  }
.Ltmp2:
0x5d: {  	_ = 	snop;
	(pc) =	sbr.rel @p1 .LBB2_4-.Ltmp2, $4  }
0x5e: {  	_ =	swait.ge [sflag:s24], $0x800  }
0x5f: {  	[sflag:s24] =	ssyncset.done $0x0  }
0x60: {  	s7 =	sadd.s32 s9, s16;
	[sflag:s24] =	ssyncadd.s32 $0xFFFFF800  }
0x61: {  	[hbm4b:s7+s3] =	stream.linear.scatter [tilespmem:s25], [sflag:$0x9], $0x800, $0x38;
	[tilespmem:$0x4000] =	vst v63  }
.Ltmp3:
0x62: {  	(pc) =	sbr.rel .LBB2_5-.Ltmp3, $4  }
0x63: {  	_ = 	snop  }
0x64: {  	_ =	swait.ge [sflag:s26], $0x800  }
0x65: {  	[sflag:s26] =	ssyncset.done $0x0  }
0x66: {  	[sflag:s26] =	ssyncadd.s32 $0xFFFFF800  }
.LBB2_4:
.Ltmp4:
0x67: {  	s0 =	sadd.s32 s9, s12;
	(pc) =	sbr.rel @p0 .LBB2_6-.Ltmp4, $4  }
0x68: {  	[tilespmem:s3], [sflag:$0x1] =	stream.linear.gather [hbm4b:s0+s3], $0x800, $0x38;
	[tilespmem:$0x4000] =	vst v63  }
0x69: {  	_ =	swait.ge [sflag:s26], $0x800  }
0x6a: {  	[sflag:s26] =	ssyncset.done $0x0  }
0x6b: {  	[sflag:s26] =	ssyncadd.s32 $0xFFFFF800  }
.LBB2_5:
0x6c: {  	_ =	swait.ge [sflag:s28], $0x800  }
0x6d: {  	[sflag:s28] =	ssyncset.done $0x0  }
0x6e: {  	[sflag:s28] =	ssyncadd.s32 $0xFFFFF800  }
.LBB2_6:
0x6f: {  	[tilespmem:s29], [sflag:$0x8] =	stream.indirect.gather [hbm4b:s4+s17], $0x1, s21, s17, $0xb8;
	[tilespmem:$0x4000] =	vst v63  }
0x70: {  	p0 =	seq.s32 s9, $0x1400  }
.Ltmp5:
0x71: {  	_ = 	snop;
	(pc) =	sbr.rel @p0 .LBB2_8-.Ltmp5, $4  }
0x72: {  	_ =	swait.ge [sflag:s30], $0x800  }
0x73: {  	[sflag:s30] =	ssyncset.done $0x0  }
0x74: {  	s0 =	sadd.s32 s9, s11;
	[sflag:s30] =	ssyncadd.s32 $0xFFFFF800  }
0x75: {  	[hbm4b:s0+s3] =	stream.linear.scatter [tilespmem:s31], [sflag:$0xA], $0x800, $0x38;
	[tilespmem:$0x4000] =	vst v63  }
.Ltmp6:
0x76: {  	(pc) =	sbr.rel .LBB2_2-.Ltmp6, $3  }
0x77: {  	_ =	sdelay $0x1  }
0x78: {  	s0 =	sadd.s32 s9, s10;
	s9 =	sadd.s32 $0x400, s9;
	s14 =	sadd.s32 $0x2000, s14  }
0x79: {  	[tilespmem:s17], [sflag:$0x2] =	stream.linear.gather [hbm4b:s0+s3], $0x800, $0x38;
	[tilespmem:$0x4000] =	vst v63  }
.LBB2_9:
0x7a: {  	_ =	sfence.sel $0x180000  }
0x7b: {  	[bflag:$0x0] =	sbarrier.arrive $0xFFFF  }
0x7c: {  	_ =	strace $0x90000047  }
0x7d: {  	s0 =	stileid.u32;
	[bflag:$0x2] =	sbarrier.arrive $0xFFFF  }
0x7e: {  	p0 =	sne.s32 s0, $0x0;
	s0 =	rddreg [dreg:$0x2]  }
0x7f: {  	s0 =	sadd.s32 @!p0 $0x100000, s0  }
0x80: {  	[sflag:s0] =	ssyncadd.tile.s32 @!p0 $0x1;
	_ =	shalt  }
.Lfunc_end2:
_tile_overlayer_lowered:
.L_overlay_start_2:
0x81: {  	(tag) =	ssettag $0x2  }
0x82: {  	s0 =	rddreg [dreg:$0x0];
	s2 =	stileid.u32  }
0x83: {  	s1 =	rddreg [dreg:$0x1];
	p0 =	sne.s32 s2, $0x0  }
0x84: {  	s3 =	rddreg [dreg:$0x2];
	[bflag:$0x3] =	sbarrier.arrive $0xFFFF;
	s2 =	simm.s32 @!p0 $0x1C0D  }
0x85: {  	[timem:s3], [sflag:s2] =	dma.local @!p0 [hbm:s0], s1  }
0x86: {  	s0 =	simm.s32 @!p0 $0xD  }
0x87: {  	_ =	swait.ge @!p0 [sflag:s0], s1  }
0x88: {  	s1 =	ssub.s32 @!p0 $0x0, s1;
	[sflag:s0] =	ssyncset.done @!p0 $0x0  }
0x89: {  	[sflag:s0] =	ssyncadd.s32 @!p0 s1  }
0x8a: {  	[bflag:$0x3] =	sbarrier.arrive $0xFFFF  }
0x8b: {  	_ =	shalt  }

// kernel: kernel.7.cloned.1.call-start
scs
__scs_entry_jumppad:
0x0: {  	(pc) =	sbr.rel $0x88, $3  }
0x1: {  	(tag) =	ssettag $0x0;
	lr =	simm.s32 $0x1  }
0x2: {  	[smem:$0x3F9F] =	sst lr;
	_ =	strace $0xD0000000  }
0x3: {  	_ = 	snop  }
0x4: {  	_ = 	snop  }
0x5: {  	_ = 	snop  }
0x6: {  	_ = 	snop  }
0x7: {  	_ = 	snop  }
__scs_overlays_trampoline_lowered:
0x8: {  	[smem:$0x3FAE] =	sst s0  }
0x9: {  	[smem:$0x3FAF] =	sst s1  }
0xa: {  	[smem:$0x3FB0] =	sst s2  }
0xb: {  	[smem:$0x3FB1] =	sst s3  }
0xc: {  	[smem:$0x3FB2] =	sst s4  }
0xd: {  	[smem:$0x3FB3] =	sst s5  }
0xe: {  	[smem:$0x3FB4] =	sst s6  }
0xf: {  	[smem:$0x3FB5] =	sst s7  }
0x10: {  	[smem:$0x3FB6] =	sst s8  }
0x11: {  	[smem:$0x3FB7] =	sst s9;
	s0 =	simm.s32 @!p0 $0x0  }
0x12: {  	s1 =	sld [smem:$0x3F9D];
	s0 =	simm.s32 @p0 $0x1  }
0x13: {  	[smem:$0x3FB8] =	sst s0;
	s0 =	simm.s32 @!p1 $0x0  }
0x14: {  	s2 =	sld [smem:$0x3F9C];
	s0 =	simm.s32 @p1 $0x1  }
0x15: {  	[smem:$0x3FB9] =	sst s0;
	s0 =	simm.s32 @!p2 $0x0  }
0x16: {  	s3 =	sld [smem:$0x3FDB];
	s0 =	simm.s32 @p2 $0x1  }
0x17: {  	s4 =	simm.s32 $0x1BF5;
	[smem:$0x3FBB] =	sst s0  }
0x18: {  	s0 =	sld [smem:$0x3F9E];
	_ =	swait.ge [sflag:s4], $0x0  }
0x19: {  	s7 =	sld [smem:$0x3F9F]  }
0x1a: {  	s8 =	sadd.s32 $0xFFFFE003, lr  }
0x1b: {  	s9 =	sadd.s32 $0xFFFFFEF7, lr;
	s5 =	simm.s32 $0xFFFFFFFF;
	p2 =	slt.u32 s8, $0xFFFFF086  }
0x1c: {  	p1 =	slt.u32 s9, $0xF7A;
	s5 =	simm.s32 @!p2 $0x0  }
0x1d: {  	s5 =	simm.s32 @p1 $0x1;
	p0 =	seq.s32 s7, s2  }
0x1e: {  	s7 =	smul.u32 @!p0 $0xF7A, s2;
	p2 =	seq.s32 @!p0 s5, $0x0  }
0x1f: {  	s9 =	smul.u32 $0xF7A, s1;
	s8 =	simm.s32 @!p0 $0x1BF5;
	p2 =	por !p2, p0  }
0x20: {  	[sflag:s8] =	ssyncset.s32 @!p0 $0xFFFFF086;
	s6 =	sadd.s32 @!p0 s3, s7;
	s7 =	simm.s32 @!p0 $0x108  }
0x21: {  	s3 =	sadd.s32 s3, s9;
	s6 =	sadd.s32 @!p0 $0x88, s6;
	s7 =	simm.s32 @p2 $0x1082  }
0x22: {  	[simem:s7], [sflag:s8] =	dma.local @!p0 [hbm:s6], $0xF7A  }
0x23: {  	s9 =	sor.u32 $0xD0000000, s2;
	s6 =	simm.s32 $0x108;
	_ =	swait.ge @!p0 [sflag:s8], $0x0  }
0x24: {  	s3 =	sadd.s32 $0x88, s3;
	s6 =	simm.s32 @!p1 $0x1082;
	[sflag:s4] =	ssyncset.s32 $0xFFFFF086  }
0x25: {  	[simem:s6], [sflag:s4] =	dma.local [hbm:s3], $0xF7A  }
0x26: {  	[smem:$0x3F9F] =	sst s1;
	(tag) =	ssettag s2;
	_ =	strace s9  }
0x27: {  	s1 =	sld [smem:$0x3FAF]  }
0x28: {  	s2 =	sld [smem:$0x3FB0]  }
0x29: {  	s4 =	sld [smem:$0x3FB2]  }
0x2a: {  	p0 =	seq.s32 s5, $0x0;
	s5 =	sld [smem:$0x3FB3]  }
0x2b: {  	s6 =	sld [smem:$0x3FB4]  }
0x2c: {  	s7 =	sld [smem:$0x3FB5]  }
0x2d: {  	s3 =	simm.s32 $0x108;
	s8 =	sld [smem:$0x3FB6]  }
0x2e: {  	s3 =	simm.s32 @!p0 $0x1082;
	s9 =	sld [smem:$0x3FB7]  }
0x2f: {  	lr =	sadd.s32 s0, s3;
	s0 =	sld [smem:$0x3FAE]  }
0x30: {  	s3 =	sld [smem:$0x3FB1]  }
0x31: {  	[smem:$0x3FBA] =	sst s10  }
0x32: {  	s10 =	sld [smem:$0x3FB8];
	_ =	sdelay $0x3  }
0x33: {  	p0 =	seq.s32 s10, $0x1;
	s10 =	sld [smem:$0x3FBA];
	_ =	sdelay $0x3  }
0x34: {  	[smem:$0x3FBA] =	sst s10  }
0x35: {  	s10 =	sld [smem:$0x3FB9];
	_ =	sdelay $0x3  }
0x36: {  	p1 =	seq.s32 s10, $0x1;
	s10 =	sld [smem:$0x3FBA];
	_ =	sdelay $0x3  }
0x37: {  	[smem:$0x3FBA] =	sst s10  }
0x38: {  	s10 =	sld [smem:$0x3FBB]  }
0x39: {  	_ = 	snop;
	(pc) =	sbr.ind lr, $3  }
0x3a: {  	_ = 	snop  }
0x3b: {  	_ = 	snop  }
0x3c: {  	p2 =	seq.s32 s10, $0x1;
	s10 =	sld [smem:$0x3FBA]  }
0x3d: {  	_ =	shalt  }
0x3e: {  	_ =	shalt  }
0x3f: {  	_ =	shalt  }
0x40: {  	_ =	shalt  }
0x41: {  	_ =	shalt  }
0x42: {  	_ =	shalt  }
0x43: {  	_ =	shalt  }
0x44: {  	_ =	shalt  }
0x45: {  	_ =	shalt  }
0x46: {  	_ =	shalt  }
0x47: {  	_ =	shalt  }
0x48: {  	_ =	shalt  }
0x49: {  	_ =	shalt  }
0x4a: {  	_ =	shalt  }
0x4b: {  	_ =	shalt  }
0x4c: {  	_ =	shalt  }
0x4d: {  	_ =	shalt  }
0x4e: {  	_ =	shalt  }
0x4f: {  	_ =	shalt  }
0x50: {  	_ =	shalt  }
0x51: {  	_ =	shalt  }
0x52: {  	_ =	shalt  }
0x53: {  	_ =	shalt  }
0x54: {  	_ =	shalt  }
0x55: {  	_ =	shalt  }
0x56: {  	_ =	shalt  }
0x57: {  	_ =	shalt  }
0x58: {  	_ =	shalt  }
0x59: {  	_ =	shalt  }
0x5a: {  	_ =	shalt  }
0x5b: {  	_ =	shalt  }
0x5c: {  	_ =	shalt  }
0x5d: {  	_ =	shalt  }
0x5e: {  	_ =	shalt  }
0x5f: {  	_ =	shalt  }
0x60: {  	_ =	shalt  }
0x61: {  	_ =	shalt  }
0x62: {  	_ =	shalt  }
0x63: {  	_ =	shalt  }
0x64: {  	_ =	shalt  }
0x65: {  	_ =	shalt  }
0x66: {  	_ =	shalt  }
0x67: {  	_ =	shalt  }
0x68: {  	_ =	shalt  }
0x69: {  	_ =	shalt  }
0x6a: {  	_ =	shalt  }
0x6b: {  	_ =	shalt  }
0x6c: {  	_ =	shalt  }
0x6d: {  	_ =	shalt  }
0x6e: {  	_ =	shalt  }
0x6f: {  	_ =	shalt  }
0x70: {  	_ =	shalt  }
0x71: {  	_ =	shalt  }
0x72: {  	_ =	shalt  }
0x73: {  	_ =	shalt  }
0x74: {  	_ =	shalt  }
0x75: {  	_ =	shalt  }
0x76: {  	_ =	shalt  }
0x77: {  	_ =	shalt  }
0x78: {  	_ =	shalt  }
0x79: {  	_ =	shalt  }
0x7a: {  	_ =	shalt  }
0x7b: {  	_ =	shalt  }
0x7c: {  	_ =	shalt  }
0x7d: {  	_ =	shalt  }
0x7e: {  	_ =	shalt  }
0x7f: {  	_ =	shalt  }
0x80: {  	_ =	shalt  }
0x81: {  	_ =	shalt  }
0x82: {  	_ =	shalt  }
0x83: {  	_ =	shalt  }
0x84: {  	_ =	shalt  }
0x85: {  	_ =	shalt  }
0x86: {  	_ =	shalt  }
0x87: {  	_ =	shalt  }
.Lfunc_end0:
.L_simem_size_0:
called_computation.1_lowered:
.L_overlay_start_0:
0x88: {  	s2 =	sld [smem:$0x3FD9]  }
0x89: {  	s3 =	sld [smem:$0x3FFE];
	_ =	sdelay $0x1  }
0x8a: {  	s1 =	srdreg.scid  }
0x8b: {  	s0 =	sand.u32 $0x1, s1  }
0x8c: {  	s17 =	sshll.u32 s0, $0xA;
	s2 =	sadd.s32 s3, s2  }
0x8d: {  	s2 =	sadd.s32 s2, s17  }
0x8e: {  	[smem:$0x3FC6] =	sst s2  }
0x8f: {  	_ = 	snop  }
0x90: {  	s2 =	sld [smem:$0x3FD0];
	(tm) =	ssettm $0x1  }
0x91: {  	s18 =	sld [smem:$0x3FFB];
	_ =	sdelay $0x3  }
0x92: {  	_ =	strace s18  }
0x93: {  	s3 =	sld [smem:$0x3FFC];
	_ =	sdelay $0x3  }
0x94: {  	_ =	strace s3  }
0x95: {  	s3 =	sld [smem:$0x3FFD];
	_ =	sdelay $0x3  }
0x96: {  	_ =	strace s3  }
0x97: {  	_ =	strace $0x8FFFFFFF  }
0x98: {  	s19 =	sld [smem:$0x3FDB];
	_ =	sdelay $0x1  }
0x99: {  	s4 =	simm.s32 $_scs_section_size  }
0x9a: {  	s5 =	simm.s32 $_size__tile_overlayer_lowered;
	s6 =	simm.s32 $_tile_overlayer_lowered  }
0x9b: {  	s22 =	simm.s32 $0x1BFF;
	s21 =	sshll.u32 s6, $0x1;
	s3 =	sadd.s32 s4, s19  }
0x9c: {  	s7 =	simm.s32 $0x0;
	s20 =	sshll.u32 s5, $0x1;
	s5 =	sadd.s32 s21, s3  }
0x9d: {  	[timem:s7], [sflag:s22] =	dma.local [hbm:s5], s20  }
0x9e: {  	_ =	swait.ge [sflag:s22], s20  }
0x9f: {  	s4 =	ssub.s32 $0x0, s20;
	[sflag:s22] =	ssyncset.done $0x0  }
0xa0: {  	[sflag:s22] =	ssyncadd.s32 s4;
	_ =	sdelay $0x1  }
0xa1: {  	s23 =	simm.s32 $0x1B8B  }
0xa2: {  	_ =	swait.ge [sflag:s23], $0x1  }
0xa3: {  	[sflag:s23] =	ssyncset.done $0x0  }
0xa4: {  	s25 =	simm.s32 $0x1B8E;
	s24 =	sld [smem:$0x3FFE];
	[sflag:s23] =	ssyncadd.s32 $0xFFFFFFFF  }
0xa5: {  	s26 =	simm.s32 $execute0_lowered;
	[smem:$0x3FD2] =	sst s25  }
0xa6: {  	s5 =	sshll.u32 s26, $0x1;
	_ =	strace $0x80000049;
	[dreg:$0x1] =	wrdreg $0xFFFFFFFF  }
0xa7: {  	s28 =	simm.s32 $_size_execute0_lowered;
	s3 =	sadd.s32 s3, s5;
	[dreg:$0x0] =	wrdreg $0x0  }
0xa8: {  	s5 =	sshll.u32 s28, $0x1;
	[dreg:$0x2] =	wrdreg s3  }
0xa9: {  	[dreg:$0x3] =	wrdreg s5  }
0xaa: {  	[dreg:$0x4] =	wrdreg $0xC0  }
0xab: {  	_ =	task [dreg:s7], $0x5FFFF  }
0xac: {  	[dreg:$0x1] =	wrdreg $0xFFFFFFFF  }
0xad: {  	[dreg:$0x0] =	wrdreg $0x60  }
0xae: {  	[dreg:$0x2] =	wrdreg s24  }
0xaf: {  	[dreg:$0x3] =	wrdreg s2  }
0xb0: {  	[dreg:$0x4] =	wrdreg $0x9  }
0xb1: {  	_ =	task.clear_ibuf [dreg:s7], $0x5FFFF;
	_ =	strace $0x90000049  }
0xb2: {  	s29 =	simm.s32 $0x9;
	_ =	strace $0x8000004B  }
0xb3: {  	_ =	swait.ge [sflag:s29], $0x1  }
0xb4: {  	[sflag:s29] =	ssyncadd.s32 $0xFFFFFFFF  }
0xb5: {  	_ =	strace $0x9000004B  }
0xb6: {  	_ =	sfence  }
0xb7: {  	s30 =	sld [smem:$0x0];
	_ =	sdelay $0x2  }
0xb8: {  	s31 =	sshll.u32 s1, $0xD;
	s1 =	sshrl.u32 s1, $0x2  }
0xb9: {  	s3 =	sand.u32 $0x4000, s31;
	s1 =	sadd.s32 s1, s30  }
0xba: {  	s0 =	sor.u32 s3, s0;
	s1 =	sshll.u32 s1, $0x11  }
0xbb: {  	s0 =	sor.u32 s1, s0  }
0xbc: {  	s0 =	sadd.s32 $0x8F2B, s0  }
0xbd: {  	[sflag:s0] =	ssyncadd.remote.s32 $0x1  }
0xbe: {  	_ =	sfence.sel $0xFFFF  }
0xbf: {  	[dreg:$0x0] =	wrdreg $0xFFFFFFFF;
	(pc) =	sbr.abs _section_cstart, $3  }
0xc0: {  	[dreg:$0x1] =	wrdreg $0xFFFFFFFF  }
0xc1: {  	_ =	task.clear_ibuf [dreg:s7], $0x2FFFF;
	_ =	strace $0x9FFFFFFF  }
0xc2: {  	(tm) =	ssettm $0x7FFFFFFF  }
0xc3: {  	_ =	shalt  }
tec
execute0_lowered:
.L_overlay_start_1:
0x0: {  	(tag) =	ssettag $0x1  }
0x1: {  	s0 =	rddreg [dreg:$0x0];
	s1 =	srdreg.scid  }
0x2: {  	s7 =	stileid.u32;
	s4 =	rddreg [dreg:$0x1];
	s2 =	simm.s32 $0x0  }
0x3: {  	s28 =	simm.s32 $0xC;
	s29 =	simm.s32 $0x3800;
	s30 =	simm.s32 $0x6  }
0x4: {  	s31 =	simm.s32 $0x2800;
	s1 =	sand.u32 $0x1, s1;
	s3 =	sshll.u32 s7, $0x1  }
0x5: {  	[smem:$0x7FF] =	sst s2;
	s7 =	smul.u32 $0x28000, s7;
	s8 =	sadd.s32 $0x72200, s0  }
0x6: {  	s3 =	sor.u32 s1, s3;
	s6 =	ssub.s32 $0x2, s1;
	s1 =	smul.u32 $0x14000, s1  }
0x7: {  	_ =	strace $0x8000004A;
	s5 =	smul.u32 $0x14000, s3;
	s9 =	sshrl.u32 s6, $0x1  }
0x8: {  	s3 =	sadd.s32 $0x800, s0;
	s13 =	ssub.s32 s6, s9;
	s1 =	sadd.s32 s1, s7  }
0x9: {  	s7 =	simm.s32 $0x0;
	s5 =	sshrl.u32 s5, $0x3;
	s16 =	sor.u32 $0x2800, s1  }
0xa: {  	s18 =	sadd.s32 $0x180800, s1;
	s0 =	smax.u32 s13, $0x1;
	s20 =	sor.u32 $0x2000, s1  }
0xb: {  	s21 =	sor.u32 $0x1800, s1;
	s22 =	sadd.s32 $0x17F800, s1;
	s24 =	sor.u32 $0x1000, s1  }
0xc: {  	s25 =	sadd.s32 $0x17F000, s1;
	s1 =	sadd.s32 $0x180000, s1;
	s14 =	sadd.s32 s8, s5  }
0xd: {  	s5 =	sadd.s32 s4, s5;
	s17 =	sshrl.u32 s16, $0x3;
	[dreg:$0x7] =	wrdreg s0  }
0xe: {  	s19 =	sshrl.u32 s18, $0x3;
	s0 =	sshrl.u32 s20, $0x3;
	s23 =	sshrl.u32 s22, $0x3  }
0xf: {  	s26 =	sshrl.u32 s1, $0x3;
	s18 =	simm.s32 $0x1;
	s20 =	simm.s32 $0x2  }
0x10: {  	s22 =	simm.s32 $0x3;
	[dreg:$0x3] =	wrdreg s14;
	s6 =	sadd.s32 $0x100, s14  }
0x11: {  	s15 =	sadd.s32 $0x32600, s5;
	s5 =	sadd.s32 $0x32700, s5;
	s9 =	sadd.s32 s17, s8  }
0x12: {  	s10 =	sadd.s32 s19, s4;
	s11 =	sadd.s32 s0, s8;
	s13 =	sadd.s32 s23, s4  }
0x13: {  	s0 =	sshrl.u32 s24, $0x3;
	s16 =	sadd.s32 s26, s4;
	s17 =	simm.s32 $0x800  }
.Ltmp0:
0x14: {  	s19 =	simm.s32 $0x1000;
	[dreg:$0x4] =	wrdreg s6;
	(pc) =	sbr.rel .LBB2_1-.Ltmp0, $4  }
0x15: {  	s23 =	simm.s32 $0x3000;
	s24 =	simm.s32 $0x5;
	[dreg:$0x5] =	wrdreg s15  }
0x16: {  	s26 =	simm.s32 $0x4;
	[dreg:$0x6] =	wrdreg s5;
	s5 =	sshrl.u32 s21, $0x3  }
0x17: {  	s14 =	sadd.s32 s0, s8;
	s12 =	sadd.s32 s5, s8;
	s5 =	sshrl.u32 s25, $0x3  }
0x18: {  	s21 =	simm.s32 $0x1800;
	s25 =	simm.s32 $0x2000;
	s15 =	sadd.s32 s5, s4  }
.LBB2_8:
0x19: {  	s0 =	simm.s32 $0x7  }
0x1a: {  	_ =	swait.ge [sflag:s0], $0x800  }
0x1b: {  	[sflag:s0] =	ssyncset.done $0x0  }
0x1c: {  	s8 =	simm.s32 $0x8;
	s6 =	rddreg [dreg:$0x5];
	[sflag:s0] =	ssyncadd.s32 $0xFFFFF800  }
0x1d: {  	[hbm4b:s6+s2] =	stream.linear.scatter [tilespmem:s23], [sflag:$0xB], $0x800, $0x38;
	[tilespmem:$0x4000] =	vst v63  }
0x1e: {  	_ =	swait.ge [sflag:s8], $0x800  }
0x1f: {  	[sflag:s8] =	ssyncset.done $0x0  }
0x20: {  	s4 =	simm.s32 $0x9;
	s1 =	rddreg [dreg:$0x6];
	[sflag:s8] =	ssyncadd.s32 $0xFFFFF800  }
0x21: {  	[hbm4b:s1+s2] =	stream.linear.scatter [tilespmem:s29], [sflag:$0xC], $0x800, $0x38;
	[tilespmem:$0x4000] =	vst v63  }
0x22: {  	_ =	swait.ge [sflag:s4], $0x800  }
0x23: {  	[sflag:s4] =	ssyncset.done $0x0  }
0x24: {  	s5 =	simm.s32 $0xA;
	[sflag:s4] =	ssyncadd.s32 $0xFFFFF800  }
0x25: {  	_ =	swait.ge [sflag:s5], $0x800  }
0x26: {  	[sflag:s5] =	ssyncset.done $0x0  }
0x27: {  	s6 =	simm.s32 $0xB;
	[sflag:s5] =	ssyncadd.s32 $0xFFFFF800  }
0x28: {  	_ =	swait.ge [sflag:s6], $0x800  }
0x29: {  	[sflag:s6] =	ssyncset.done $0x0  }
0x2a: {  	[sflag:s6] =	ssyncadd.s32 $0xFFFFF800  }
0x2b: {  	_ =	swait.ge [sflag:s28], $0x800  }
0x2c: {  	s7 =	sadd.s32 $0x1, s7;
	s8 =	rddreg [dreg:$0x7]  }
0x2d: {  	p0 =	sne.s32 s7, s8  }
.Ltmp1:
0x2e: {  	_ = 	snop;
	(pc) =	sbr.rel @!p0 .LBB2_9-.Ltmp1, $3  }
0x2f: {  	_ =	sdelay $0x1  }
0x30: {  	[sflag:s28] =	ssyncset.done $0x0  }
0x31: {  	[sflag:s28] =	ssyncadd.s32 $0xFFFFF800  }
.LBB2_1:
0x32: {  	s0 =	rddreg [dreg:$0x3]  }
0x33: {  	[tilespmem:s2], [sflag:$0x1] =	stream.linear.gather [hbm4b:s0+s2], $0x800, $0x38;
	[tilespmem:$0x4000] =	vst v63  }
0x34: {  	s8 =	rddreg [dreg:$0x4]  }
0x35: {  	[tilespmem:s17], [sflag:$0x2] =	stream.linear.gather [hbm4b:s8+s2], $0x800, $0x38;
	[tilespmem:$0x4000] =	vst v63  }
0x36: {  	s8 =	simm.s32 $0x0  }
.LBB2_2:
0x37: {  	_ =	swait.ge [sflag:s18], $0x800  }
0x38: {  	p0 =	sne.s32 s8, $0x0;
	[sflag:s18] =	ssyncset.done $0x0  }
0x39: {  	s1 =	simm.s32 @p0 $0x9;
	[sflag:s18] =	ssyncadd.s32 $0xFFFFF800  }
0x3a: {  	_ =	swait.ge @p0 [sflag:s1], $0x800  }
0x3b: {  	s0 =	simm.s32 @p0 $0x0;
	[sflag:s1] =	ssyncset.done @p0 $0x0  }
0x3c: {  	s5 =	simm.s32 @p0 $0x2000;
	[sflag:s1] =	ssyncadd.s32 @p0 $0xFFFFF800;
	s1 =	simm.s32 @p0 $0x800  }
0x3d: {  	[tilespmem:s5], [sflag:$0x5] =	stream.indirect.gather @p0 [hbm4b:s3+s1], $0x1, s0, s1, $0xb8;
	[tilespmem:$0x4000] =	vst v63  }
0x3e: {  	s5 =	simm.s32 @p0 $0x7  }
0x3f: {  	_ =	swait.ge @p0 [sflag:s5], $0x800  }
0x40: {  	[sflag:s5] =	ssyncset.done @p0 $0x0  }
0x41: {  	s6 =	simm.s32 @p0 $0x3000;
	[sflag:s5] =	ssyncadd.s32 @p0 $0xFFFFF800;
	s5 =	sadd.s32 @p0 s8, s15  }
0x42: {  	[hbm4b:s5+s0] =	stream.linear.scatter @p0 [tilespmem:s6], [sflag:$0xB], $0x800, $0x38;
	[tilespmem:$0x4000] =	vst v63  }
0x43: {  	s4 =	simm.s32 @!p0 $0x2000;
	s5 =	simm.s32 @!p0 $0x800;
	s6 =	simm.s32 @!p0 $0x0  }
0x44: {  	[tilespmem:s4], [sflag:$0x5] =	stream.indirect.gather @!p0 [hbm4b:s3+s5], $0x1, s6, s5, $0xb8;
	[tilespmem:$0x4000] =	vst v63  }
0x45: {  	s6 =	sadd.s32 s8, s14  }
0x46: {  	[tilespmem:s19], [sflag:$0x3] =	stream.linear.gather [hbm4b:s6+s2], $0x800, $0x38;
	[tilespmem:$0x4000] =	vst v63  }
0x47: {  	_ =	swait.ge [sflag:s20], $0x800  }
0x48: {  	[sflag:s20] =	ssyncset.done $0x0  }
0x49: {  	s4 =	simm.s32 @p0 $0xA;
	[sflag:s20] =	ssyncadd.s32 $0xFFFFF800  }
0x4a: {  	_ =	swait.ge @p0 [sflag:s4], $0x800  }
0x4b: {  	[sflag:s4] =	ssyncset.done @p0 $0x0  }
0x4c: {  	[sflag:s4] =	ssyncadd.s32 @p0 $0xFFFFF800;
	s4 =	simm.s32 @p0 $0x2800  }
0x4d: {  	[tilespmem:s4], [sflag:$0x6] =	stream.indirect.gather @p0 [hbm4b:s3+s1], $0x1, s1, s1, $0xb8;
	[tilespmem:$0x4000] =	vst v63  }
0x4e: {  	s1 =	simm.s32 @p0 $0x8  }
0x4f: {  	_ =	swait.ge @p0 [sflag:s1], $0x800  }
0x50: {  	[sflag:s1] =	ssyncset.done @p0 $0x0  }
0x51: {  	s4 =	simm.s32 @p0 $0x3800;
	[sflag:s1] =	ssyncadd.s32 @p0 $0xFFFFF800;
	s1 =	sadd.s32 @p0 s8, s13  }
0x52: {  	[hbm4b:s1+s0] =	stream.linear.scatter @p0 [tilespmem:s4], [sflag:$0xC], $0x800, $0x38;
	[tilespmem:$0x4000] =	vst v63  }
0x53: {  	s0 =	simm.s32 @!p0 $0x2800  }
0x54: {  	[tilespmem:s0], [sflag:$0x6] =	stream.indirect.gather @!p0 [hbm4b:s3+s5], $0x1, s5, s5, $0xb8;
	[tilespmem:$0x4000] =	vst v63  }
0x55: {  	s5 =	sadd.s32 s8, s12  }
0x56: {  	[tilespmem:s21], [sflag:$0x4] =	stream.linear.gather [hbm4b:s5+s2], $0x800, $0x38;
	[tilespmem:$0x4000] =	vst v63  }
0x57: {  	_ =	swait.ge [sflag:s22], $0x800  }
0x58: {  	p0 =	seq.s32 s8, $0x0;
	[sflag:s22] =	ssyncset.done $0x0  }
0x59: {  	s0 =	simm.s32 @!p0 $0xB;
	[sflag:s22] =	ssyncadd.s32 $0xFFFFF800  }
0x5a: {  	_ =	swait.ge @!p0 [sflag:s0], $0x800  }
0x5b: {  	[sflag:s0] =	ssyncset.done @!p0 $0x0  }
0x5c: {  	p1 =	sne.s32 s8, $0x2400;
	[sflag:s0] =	ssyncadd.s32 @!p0 $0xFFFFF800  }
0x5d: {  	[tilespmem:s23], [sflag:$0x7] =	stream.indirect.gather [hbm4b:s3+s17], $0x1, s19, s17, $0xb8;
	[tilespmem:$0x4000] =	vst v63  }
.Ltmp2:
0x5e: {  	_ = 	snop;
	(pc) =	sbr.rel @p1 .LBB2_4-.Ltmp2, $4  }
0x5f: {  	_ =	swait.ge [sflag:s24], $0x800  }
0x60: {  	[sflag:s24] =	ssyncset.done $0x0  }
0x61: {  	s6 =	sadd.s32 s8, s16;
	[sflag:s24] =	ssyncadd.s32 $0xFFFFF800  }
0x62: {  	[hbm4b:s6+s2] =	stream.linear.scatter [tilespmem:s25], [sflag:$0x9], $0x800, $0x38;
	[tilespmem:$0x4000] =	vst v63  }
.Ltmp3:
0x63: {  	(pc) =	sbr.rel .LBB2_5-.Ltmp3, $4  }
0x64: {  	_ = 	snop  }
0x65: {  	_ =	swait.ge [sflag:s26], $0x800  }
0x66: {  	[sflag:s26] =	ssyncset.done $0x0  }
0x67: {  	[sflag:s26] =	ssyncadd.s32 $0xFFFFF800  }
.LBB2_4:
.Ltmp4:
0x68: {  	s0 =	sadd.s32 s8, s11;
	(pc) =	sbr.rel @p0 .LBB2_6-.Ltmp4, $4  }
0x69: {  	[tilespmem:s2], [sflag:$0x1] =	stream.linear.gather [hbm4b:s0+s2], $0x800, $0x38;
	[tilespmem:$0x4000] =	vst v63  }
0x6a: {  	_ =	swait.ge [sflag:s26], $0x800  }
0x6b: {  	[sflag:s26] =	ssyncset.done $0x0  }
0x6c: {  	[sflag:s26] =	ssyncadd.s32 $0xFFFFF800  }
.LBB2_5:
0x6d: {  	_ =	swait.ge [sflag:s28], $0x800  }
0x6e: {  	[sflag:s28] =	ssyncset.done $0x0  }
0x6f: {  	[sflag:s28] =	ssyncadd.s32 $0xFFFFF800  }
.LBB2_6:
0x70: {  	[tilespmem:s29], [sflag:$0x8] =	stream.indirect.gather [hbm4b:s3+s17], $0x1, s21, s17, $0xb8;
	[tilespmem:$0x4000] =	vst v63  }
0x71: {  	p0 =	seq.s32 s8, $0x2400  }
.Ltmp5:
0x72: {  	_ = 	snop;
	(pc) =	sbr.rel @p0 .LBB2_8-.Ltmp5, $4  }
0x73: {  	_ =	swait.ge [sflag:s30], $0x800  }
0x74: {  	[sflag:s30] =	ssyncset.done $0x0  }
0x75: {  	s0 =	sadd.s32 s8, s10;
	[sflag:s30] =	ssyncadd.s32 $0xFFFFF800  }
0x76: {  	[hbm4b:s0+s2] =	stream.linear.scatter [tilespmem:s31], [sflag:$0xA], $0x800, $0x38;
	[tilespmem:$0x4000] =	vst v63  }
.Ltmp6:
0x77: {  	(pc) =	sbr.rel .LBB2_2-.Ltmp6, $3  }
0x78: {  	_ =	sdelay $0x1  }
0x79: {  	s0 =	sadd.s32 s8, s9;
	s8 =	sadd.s32 $0x400, s8  }
0x7a: {  	[tilespmem:s17], [sflag:$0x2] =	stream.linear.gather [hbm4b:s0+s2], $0x800, $0x38;
	[tilespmem:$0x4000] =	vst v63  }
.LBB2_9:
0x7b: {  	_ =	sfence.sel $0x180000  }
0x7c: {  	[bflag:$0x0] =	sbarrier.arrive $0xFFFF  }
0x7d: {  	_ =	strace $0x9000004A  }
0x7e: {  	s0 =	stileid.u32;
	[bflag:$0x2] =	sbarrier.arrive $0xFFFF  }
0x7f: {  	p0 =	sne.s32 s0, $0x0;
	s0 =	rddreg [dreg:$0x2]  }
0x80: {  	s0 =	sadd.s32 @!p0 $0x100000, s0  }
0x81: {  	[sflag:s0] =	ssyncadd.tile.s32 @!p0 $0x1;
	_ =	shalt  }
.Lfunc_end2:
_tile_overlayer_lowered:
.L_overlay_start_2:
0x82: {  	(tag) =	ssettag $0x2  }
0x83: {  	s0 =	rddreg [dreg:$0x0];
	s2 =	stileid.u32  }
0x84: {  	s1 =	rddreg [dreg:$0x1];
	p0 =	sne.s32 s2, $0x0  }
0x85: {  	s3 =	rddreg [dreg:$0x2];
	[bflag:$0x3] =	sbarrier.arrive $0xFFFF;
	s2 =	simm.s32 @!p0 $0x1C0D  }
0x86: {  	[timem:s3], [sflag:s2] =	dma.local @!p0 [hbm:s0], s1  }
0x87: {  	s0 =	simm.s32 @!p0 $0xD  }
0x88: {  	_ =	swait.ge @!p0 [sflag:s0], s1  }
0x89: {  	s1 =	ssub.s32 @!p0 $0x0, s1;
	[sflag:s0] =	ssyncset.done @!p0 $0x0  }
0x8a: {  	[sflag:s0] =	ssyncadd.s32 @!p0 s1  }
0x8b: {  	[bflag:$0x3] =	sbarrier.arrive $0xFFFF  }
0x8c: {  	_ =	shalt  }

</sc_bundles>
